<compile_context>
chip_gen: v7x
topology: tpu7x:2x2x1
jax: 0.10.2.dev20260603
libtpu: 0.0.44.dev20260713+nightly
codegen_flags: <defaults>
</compile_context>

<pallas_src>
import functools

import jax
import jax.numpy as jnp
from jax import lax
from jax.experimental import pallas as pl
from jax.experimental.pallas import tpu as pltpu
from jax.experimental.pallas import tpu_sc as plsc

N_NODES = 10000
N_PAD = 10240
N_EDGES = 320000
D = 128

NC = 2
NS = 16
CHUNK = 80
EDGE_ROWS = N_EDGES // CHUNK
ROWS_PER_TILE_DEG = EDGE_ROWS // NS
EPT_AGG = N_EDGES // (NC * NS)
ROWS_PER_TILE_AGG = EPT_AGG // CHUNK
SLAB = N_PAD // NS

_mesh = plsc.VectorSubcoreMesh(core_axis_name="c", subcore_axis_name="s")


@functools.partial(
    pl.kernel,
    out_type=jax.ShapeDtypeStruct((NC, N_PAD, D), jnp.float32),
    mesh=_mesh,
    scratch_types=[
        pltpu.VMEM((ROWS_PER_TILE_DEG, CHUNK), jnp.int32),
        pltpu.VMEM((CHUNK, D), jnp.float32),
        pltpu.VMEM_SHARED((N_PAD, D), jnp.float32),
        pltpu.SemaphoreType.DMA,
    ],
)
def _deg_kernel(idx2d_hbm, ones_hbm, zeros_hbm, out_hbm, idx_v, ones_v, acc_sh, sem_s):
    cid = lax.axis_index("c")
    sid = lax.axis_index("s")
    pltpu.sync_copy(idx2d_hbm.at[cid, sid], idx_v)
    pltpu.sync_copy(ones_hbm, ones_v)
    pltpu.sync_copy(zeros_hbm, acc_sh.at[pl.ds(sid * SLAB, SLAB)])
    plsc.subcore_barrier()

    DEPTH = 8

    def body(j, carry):
        pltpu.async_copy(ones_v, acc_sh.at[idx_v.at[j]], sem_s, add=True)

        @pl.when(j >= DEPTH)
        def _drain():
            pltpu.make_async_copy(zeros_hbm.at[pl.ds(0, CHUNK)], ones_v, sem_s).wait()

        return carry

    lax.fori_loop(0, ROWS_PER_TILE_DEG, body, 0)

    def drain(j, carry):
        pltpu.make_async_copy(zeros_hbm.at[pl.ds(0, CHUNK)], ones_v, sem_s).wait()
        return carry

    lax.fori_loop(0, DEPTH, drain, 0)
    plsc.subcore_barrier()
    pltpu.sync_copy(
        acc_sh.at[pl.ds(sid * SLAB, SLAB)],
        out_hbm.at[cid, pl.ds(sid * SLAB, SLAB)],
    )


@functools.partial(
    pl.kernel,
    out_type=jax.ShapeDtypeStruct((NC, N_PAD, D), jnp.float32),
    mesh=_mesh,
    scratch_types=[
        pltpu.VMEM((EPT_AGG,), jnp.int32),
        pltpu.VMEM((ROWS_PER_TILE_AGG, CHUNK), jnp.int32),
        pltpu.VMEM((CHUNK, D), jnp.float32),
        pltpu.VMEM((CHUNK, D), jnp.float32),
        pltpu.VMEM_SHARED((N_PAD, D), jnp.float32),
        pltpu.SemaphoreType.DMA,
        pltpu.SemaphoreType.DMA,
    ],
)
def _agg_kernel(t_hbm, src_hbm, dst3d_hbm, zeros_hbm, out_hbm,
                src_v, dst_v, buf0, buf1, acc_sh, sg0, sg1):
    sem_g = [sg0, sg1]
    bufs2 = [buf0, buf1]
    cid = lax.axis_index("c")
    sid = lax.axis_index("s")
    wid = cid * NS + sid
    pltpu.sync_copy(src_hbm.at[pl.ds(wid * EPT_AGG, EPT_AGG)], src_v)
    pltpu.sync_copy(dst3d_hbm.at[wid], dst_v)
    pltpu.sync_copy(zeros_hbm.at[pl.ds(0, CHUNK)], buf0)
    for k in range(SLAB // CHUNK):
        pltpu.sync_copy(buf0, acc_sh.at[pl.ds(sid * SLAB + k * CHUNK, CHUNK)])
    plsc.subcore_barrier()

    NCH = ROWS_PER_TILE_AGG

    def gather(j, b):
        pltpu.async_copy(t_hbm.at[src_v.at[pl.ds(j * CHUNK, CHUNK)]],
                         bufs2[b], sem_g[b])

    def wait_bytes(b, sem):
        pltpu.make_async_copy(zeros_hbm.at[pl.ds(0, CHUNK)], bufs2[b], sem[b]).wait()

    gather(0, 0)

    def body(j, carry):
        for b in range(2):
            @pl.when(j % 2 == b)
            def _do(b=b):
                @pl.when(j + 1 < NCH)
                def _pf():
                    gather(j + 1, 1 - b)
                wait_bytes(b, sem_g)
                pltpu.sync_copy(bufs2[b], acc_sh.at[dst_v.at[j]], add=True)
        return carry

    lax.fori_loop(0, NCH, body, 0)
    plsc.subcore_barrier()
    pltpu.sync_copy(
        acc_sh.at[pl.ds(sid * SLAB, SLAB)],
        out_hbm.at[cid, pl.ds(sid * SLAB, SLAB)],
    )


NB = 1280


def _rsqrt_clip(deg_col):
    return lax.rsqrt(jnp.maximum(deg_col, 1.0))


def _tc1a_body(h_ref, w1_ref, o_ref):
    o_ref[...] = lax.dot_general(h_ref[...], w1_ref[...], (((0,), (0,)), ((), ())),
                                 preferred_element_type=jnp.float32)


def _tc1b_body(y_ref, deg_ref, o_ref):
    ns = _rsqrt_clip(deg_ref[0, :, 0:1])
    o_ref[...] = y_ref[...] * ns


def _tc2_body(p_ref, deg_ref, b1_ref, o_ref):
    s = p_ref[0] + p_ref[1]
    ns = _rsqrt_clip(deg_ref[0, :, 0:1])
    nd = _rsqrt_clip(deg_ref[1, :, 0:1])
    o_ref[...] = ns * jnp.maximum(s * nd + b1_ref[...], 0.0)


def _tc3_body(p_ref, deg_ref, w2_ref, b2_ref, o_ref):
    nd = _rsqrt_clip(deg_ref[1, :, 0:1])
    s = (p_ref[0] + p_ref[1]) * nd
    o_ref[...] = lax.dot_general(w2_ref[...], s, (((0,), (1,)), ((), ())),
                                 preferred_element_type=jnp.float32) + b2_ref[...]


_deg_spec = pl.BlockSpec((NC, NB, D), lambda j: (0, j, 0))
_part_spec = pl.BlockSpec((NC, NB, D), lambda j: (0, j, 0))

_tc1a = pl.pallas_call(
    _tc1a_body,
    grid=(N_PAD // NB,),
    in_specs=[
        pl.BlockSpec((D, NB), lambda j: (0, j)),
        pl.BlockSpec((D, D), lambda j: (0, 0)),
    ],
    out_specs=pl.BlockSpec((NB, D), lambda j: (j, 0)),
    out_shape=jax.ShapeDtypeStruct((N_PAD, D), jnp.float32),
)

_tc1b = pl.pallas_call(
    _tc1b_body,
    grid=(N_PAD // NB,),
    in_specs=[
        pl.BlockSpec((NB, D), lambda j: (j, 0)),
        _deg_spec,
    ],
    out_specs=pl.BlockSpec((NB, D), lambda j: (j, 0)),
    out_shape=jax.ShapeDtypeStruct((N_PAD, D), jnp.float32),
)

_tc2 = pl.pallas_call(
    _tc2_body,
    grid=(N_PAD // NB,),
    in_specs=[
        _part_spec,
        _deg_spec,
        pl.BlockSpec((1, D), lambda j: (0, 0)),
    ],
    out_specs=pl.BlockSpec((NB, D), lambda j: (j, 0)),
    out_shape=jax.ShapeDtypeStruct((N_PAD, D), jnp.float32),
)

_tc3 = pl.pallas_call(
    _tc3_body,
    grid=(N_PAD // NB,),
    in_specs=[
        _part_spec,
        _deg_spec,
        pl.BlockSpec((D, D), lambda j: (0, 0)),
        pl.BlockSpec((D, 1), lambda j: (0, 0)),
    ],
    out_specs=pl.BlockSpec((D, NB), lambda j: (0, j)),
    out_shape=jax.ShapeDtypeStruct((D, N_PAD), jnp.float32),
)


@jax.jit
def kernel(h, edge_index, W1, b1, W2, b2):
    src = edge_index[0]
    idx4d = edge_index.reshape(2, NS, ROWS_PER_TILE_DEG, CHUNK)
    dst3d = edge_index[1].reshape(NC * NS, ROWS_PER_TILE_AGG, CHUNK)
    hp = jnp.pad(h, ((0, 0), (0, N_PAD - N_NODES)))
    ones128 = jnp.ones((CHUNK, D), jnp.float32)
    zeros128 = jnp.zeros((SLAB, D), jnp.float32)

    degs = _deg_kernel(idx4d, ones128, zeros128)
    y1 = _tc1a(hp, W1)
    t1 = _tc1b(y1, degs)
    a1 = _agg_kernel(t1, src, dst3d, zeros128)
    t2 = _tc2(a1, degs, b1.reshape(1, D))
    a2 = _agg_kernel(t2, src, dst3d, zeros128)
    out = _tc3(a2, degs, W2, b2.reshape(D, 1))
    return out[:, :N_NODES]

# --- scband reference (transcript-rebuilt; emitter-appended) ---
"""Pipeline reference for scband-gcnn-69776038691375 (READ-ONLY COPY).

The authoritative reference and input builder live on the scoring server;
editing this copy changes nothing except your own understanding.
"""

import jax, jax.numpy as jnp
import numpy as np

N = 10000
E = 320000
D_IN = 128
D_HID = 128
D_OUT = 128


def _glorot(key, shape):
    fan_in, fan_out = shape[0], shape[1]
    limit = np.sqrt(6.0 / (fan_in + fan_out))
    return jax.random.uniform(key, shape, dtype=jnp.float32, minval=-limit, maxval=limit)


def setup_inputs(seed: int = 0) -> dict:
    key = jax.random.key(seed)
    k1, k2, k3, k4 = jax.random.split(key, 4)
    # forward inputs: h is [in_dim, N] (module transposes internally), edge_index [2, E]
    h = jax.random.normal(k1, (D_IN, N), dtype=jnp.float32)
    edge_index = jax.random.randint(k2, (2, E), 0, N, dtype=jnp.int32)
    # learned parameters for the 2 GraphConv layers (Kipf GCN, norm='both', bias=True)
    W1 = _glorot(k3, (D_IN, D_HID))
    b1 = jnp.zeros((D_HID,), dtype=jnp.float32)
    W2 = _glorot(k4, (D_HID, D_OUT))
    b2 = jnp.zeros((D_OUT,), dtype=jnp.float32)
    return {"h": h, "edge_index": edge_index, "W1": W1, "b1": b1, "W2": W2, "b2": b2}


def _gcn_conv(x, src, dst, W, b, n_nodes):
    # DGL GraphConv with norm='both':
    #   out = D_in^{-1/2} * A * D_out^{-1/2} * x * W + b
    ones = jnp.ones((src.shape[0],), dtype=jnp.float32)
    deg_out = jnp.zeros((n_nodes,), dtype=jnp.float32).at[src].add(ones)
    deg_in = jnp.zeros((n_nodes,), dtype=jnp.float32).at[dst].add(ones)
    norm_src = jnp.clip(deg_out, 1.0, None) ** -0.5
    norm_dst = jnp.clip(deg_in, 1.0, None) ** -0.5
    x = x * norm_src[:, None]
    msg = jnp.take(x, src, axis=0)  # gather over edges
    agg = jnp.zeros((n_nodes, x.shape[1]), dtype=x.dtype).at[dst].add(msg)  # scatter-add
    agg = agg * norm_dst[:, None]
    return agg @ W + b


def reference(h, edge_index, W1, b1, W2, b2):
    src = edge_index[0]
    dst = edge_index[1]
    x = h.T  # h.transpose(0, 1) -> [N, D_IN]
    x = jax.nn.relu(_gcn_conv(x, src, dst, W1, b1, N))  # act + dropout(p=0)=identity
    x = _gcn_conv(x, src, dst, W2, b2, N)
    return x.T  # final transpose(1, 0); last_act is None

if __name__ == "__main__":
    import jax
    _d = setup_inputs()
    print(jax.jit(kernel)(*tuple(_d.values())))

</pallas_src>

<mosaic_0001>
#map = affine_map<(d0, d1) -> (0, 0)>
#map1 = affine_map<(d0, d1) -> (0)>
#map2 = affine_map<(d0, d1) -> (0, 0, 0)>
module attributes {stable_mosaic.version = 14 : i64} {
  func.func @_agg_kernel(%arg0: i32, %arg1: i32, %arg2: memref<10240x128xf32, #tpu.memory_space<hbm>>, %arg3: memref<320000xi32, #tpu.memory_space<hbm>>, %arg4: memref<32x125x80xi32, #tpu.memory_space<hbm>>, %arg5: memref<640x128xf32, #tpu.memory_space<hbm>>, %arg6: memref<2x10240x128xf32, #tpu.memory_space<hbm>>, %arg7: memref<10000xi32, #tpu.memory_space<vmem>>, %arg8: memref<125x80xi32, #tpu.memory_space<vmem>>, %arg9: memref<80x128xf32, #tpu.memory_space<vmem>>, %arg10: memref<80x128xf32, #tpu.memory_space<vmem>>, %arg11: memref<10240x128xf32, #tpu.memory_space<vmem_shared>>, %arg12: memref<!tpu.dma_semaphore, #tpu.memory_space<semaphore_mem>>, %arg13: memref<!tpu.dma_semaphore, #tpu.memory_space<semaphore_mem>>) attributes {dimension_semantics = [#tpu.dimension_semantics<core_parallel>, #tpu.dimension_semantics<subcore_parallel>], iteration_bounds = array<i64: 2, 16>, scalar_prefetch = 0 : i64, scratch_operands = 7 : i64, tpu.core_type = #tpu.core_type<sc_vector_subcore>, window_params = [{transform_indices = #map}, {transform_indices = #map1}, {transform_indices = #map2}, {transform_indices = #map}, {transform_indices = #map2}]} {
    %mul3A = arith.constant 16 : i32
    %mul3A_0 = arith.muli %arg0, %mul3A : i32
    %add3A = arith.addi %mul3A_0, %arg1 : i32
    %mul3A_1 = arith.constant 10000 : i32
    %mul3A_2 = arith.muli %add3A, %mul3A_1 : i32
    "tpu.region"() ({
      %run_scoped3A = tpu.sem_alloc : memref<!tpu.dma_semaphore, #tpu.memory_space<semaphore_mem>>
      %dma_start3A_49 = tpu.memref_slice %arg3[%mul3A_2] : memref<320000xi32, #tpu.memory_space<hbm>> -> memref<10000xi32, #tpu.memory_space<hbm>>
      %dma_start3A_50 = tpu.memref_slice %arg3[%mul3A_2] : memref<320000xi32, #tpu.memory_space<hbm>> -> memref<10000xi32, #tpu.memory_space<hbm>>
      tpu.enqueue_dma source(%dma_start3A_50 : memref<10000xi32, #tpu.memory_space<hbm>>) target(%arg7 : memref<10000xi32, #tpu.memory_space<vmem>>) target_semaphore(%run_scoped3A : memref<!tpu.dma_semaphore, #tpu.memory_space<semaphore_mem>>)
      %dma_wait3A = tpu.memref_slice %arg3[%mul3A_2] : memref<320000xi32, #tpu.memory_space<hbm>> -> memref<10000xi32, #tpu.memory_space<hbm>>
      %dma_wait3A_51 = tpu.memref_slice %arg3[%mul3A_2] : memref<320000xi32, #tpu.memory_space<hbm>> -> memref<10000xi32, #tpu.memory_space<hbm>>
      tpu.wait_dma2 semaphore(%run_scoped3A : memref<!tpu.dma_semaphore, #tpu.memory_space<semaphore_mem>>) src(%dma_wait3A_51 : memref<10000xi32, #tpu.memory_space<hbm>>) dst(%arg7 : memref<10000xi32, #tpu.memory_space<vmem>>)
      tpu.yield
    }) : () -> ()
    "tpu.region"() ({
      %run_scoped3A = tpu.sem_alloc : memref<!tpu.dma_semaphore, #tpu.memory_space<semaphore_mem>>
      %dma_start3A_49 = arith.constant 0 : i32
      %dma_start3A_50 = arith.constant 0 : i32
      %dma_start3A_51 = tpu.memref_slice %arg4[%add3A, %dma_start3A_49, %dma_start3A_50] : memref<32x125x80xi32, #tpu.memory_space<hbm>> -> memref<1x125x80xi32, #tpu.memory_space<hbm>>
      %dma_start3A_52 = tpu.memref_squeeze %dma_start3A_51 : memref<1x125x80xi32, #tpu.memory_space<hbm>> -> memref<125x80xi32, #tpu.memory_space<hbm>>
      %dma_start3A_53 = arith.constant 0 : i32
      %dma_start3A_54 = arith.constant 0 : i32
      %dma_start3A_55 = tpu.memref_slice %arg4[%add3A, %dma_start3A_53, %dma_start3A_54] : memref<32x125x80xi32, #tpu.memory_space<hbm>> -> memref<1x125x80xi32, #tpu.memory_space<hbm>>
      %dma_start3A_56 = tpu.memref_squeeze %dma_start3A_55 : memref<1x125x80xi32, #tpu.memory_space<hbm>> -> memref<125x80xi32, #tpu.memory_space<hbm>>
      tpu.enqueue_dma source(%dma_start3A_56 : memref<125x80xi32, #tpu.memory_space<hbm>>) target(%arg8 : memref<125x80xi32, #tpu.memory_space<vmem>>) target_semaphore(%run_scoped3A : memref<!tpu.dma_semaphore, #tpu.memory_space<semaphore_mem>>)
      %dma_wait3A = arith.constant 0 : i32
      %dma_wait3A_57 = arith.constant 0 : i32
      %dma_wait3A_58 = tpu.memref_slice %arg4[%add3A, %dma_wait3A, %dma_wait3A_57] : memref<32x125x80xi32, #tpu.memory_space<hbm>> -> memref<1x125x80xi32, #tpu.memory_space<hbm>>
      %dma_wait3A_59 = tpu.memref_squeeze %dma_wait3A_58 : memref<1x125x80xi32, #tpu.memory_space<hbm>> -> memref<125x80xi32, #tpu.memory_space<hbm>>
      %dma_wait3A_60 = arith.constant 0 : i32
      %dma_wait3A_61 = arith.constant 0 : i32
      %dma_wait3A_62 = tpu.memref_slice %arg4[%add3A, %dma_wait3A_60, %dma_wait3A_61] : memref<32x125x80xi32, #tpu.memory_space<hbm>> -> memref<1x125x80xi32, #tpu.memory_space<hbm>>
      %dma_wait3A_63 = tpu.memref_squeeze %dma_wait3A_62 : memref<1x125x80xi32, #tpu.memory_space<hbm>> -> memref<125x80xi32, #tpu.memory_space<hbm>>
      tpu.wait_dma2 semaphore(%run_scoped3A : memref<!tpu.dma_semaphore, #tpu.memory_space<semaphore_mem>>) src(%dma_wait3A_63 : memref<125x80xi32, #tpu.memory_space<hbm>>) dst(%arg8 : memref<125x80xi32, #tpu.memory_space<vmem>>)
      tpu.yield
    }) : () -> ()
    "tpu.region"() ({
      %run_scoped3A = tpu.sem_alloc : memref<!tpu.dma_semaphore, #tpu.memory_space<semaphore_mem>>
      %dma_start3A_49 = arith.constant 0 : i32
      %dma_start3A_50 = arith.constant 0 : i32
      %dma_start3A_51 = tpu.memref_slice %arg5[%dma_start3A_49, %dma_start3A_50] : memref<640x128xf32, #tpu.memory_space<hbm>> -> memref<80x128xf32, #tpu.memory_space<hbm>>
      %dma_start3A_52 = arith.constant 0 : i32
      %dma_start3A_53 = arith.constant 0 : i32
      %dma_start3A_54 = tpu.memref_slice %arg5[%dma_start3A_52, %dma_start3A_53] : memref<640x128xf32, #tpu.memory_space<hbm>> -> memref<80x128xf32, #tpu.memory_space<hbm>>
      tpu.enqueue_dma source(%dma_start3A_54 : memref<80x128xf32, #tpu.memory_space<hbm>>) target(%arg9 : memref<80x128xf32, #tpu.memory_space<vmem>>) target_semaphore(%run_scoped3A : memref<!tpu.dma_semaphore, #tpu.memory_space<semaphore_mem>>)
      %dma_wait3A = arith.constant 0 : i32
      %dma_wait3A_55 = arith.constant 0 : i32
      %dma_wait3A_56 = tpu.memref_slice %arg5[%dma_wait3A, %dma_wait3A_55] : memref<640x128xf32, #tpu.memory_space<hbm>> -> memref<80x128xf32, #tpu.memory_space<hbm>>
      %dma_wait3A_57 = arith.constant 0 : i32
      %dma_wait3A_58 = arith.constant 0 : i32
      %dma_wait3A_59 = tpu.memref_slice %arg5[%dma_wait3A_57, %dma_wait3A_58] : memref<640x128xf32, #tpu.memory_space<hbm>> -> memref<80x128xf32, #tpu.memory_space<hbm>>
      tpu.wait_dma2 semaphore(%run_scoped3A : memref<!tpu.dma_semaphore, #tpu.memory_space<semaphore_mem>>) src(%dma_wait3A_59 : memref<80x128xf32, #tpu.memory_space<hbm>>) dst(%arg9 : memref<80x128xf32, #tpu.memory_space<vmem>>)
      tpu.yield
    }) : () -> ()
    %mul3A_3 = arith.constant 640 : i32
    %mul3A_4 = arith.muli %arg1, %mul3A_3 : i32
    %add3A_5 = arith.constant 0 : i32
    %add3A_6 = arith.addi %mul3A_4, %add3A_5 : i32
    "tpu.region"() ({
      %run_scoped3A = tpu.sem_alloc : memref<!tpu.dma_semaphore, #tpu.memory_space<semaphore_mem>>
      %dma_start3A_49 = arith.constant 0 : i32
      %dma_start3A_50 = tpu.memref_slice %arg11[%add3A_6, %dma_start3A_49] : memref<10240x128xf32, #tpu.memory_space<vmem_shared>> -> memref<80x128xf32, #tpu.memory_space<vmem_shared>>
      %dma_start3A_51 = arith.constant 0 : i32
      %dma_start3A_52 = tpu.memref_slice %arg11[%add3A_6, %dma_start3A_51] : memref<10240x128xf32, #tpu.memory_space<vmem_shared>> -> memref<80x128xf32, #tpu.memory_space<vmem_shared>>
      tpu.enqueue_dma source(%arg9 : memref<80x128xf32, #tpu.memory_space<vmem>>) target(%dma_start3A_52 : memref<80x128xf32, #tpu.memory_space<vmem_shared>>) target_semaphore(%run_scoped3A : memref<!tpu.dma_semaphore, #tpu.memory_space<semaphore_mem>>)
      %dma_wait3A = arith.constant 0 : i32
      %dma_wait3A_53 = tpu.memref_slice %arg11[%add3A_6, %dma_wait3A] : memref<10240x128xf32, #tpu.memory_space<vmem_shared>> -> memref<80x128xf32, #tpu.memory_space<vmem_shared>>
      %dma_wait3A_54 = arith.constant 0 : i32
      %dma_wait3A_55 = tpu.memref_slice %arg11[%add3A_6, %dma_wait3A_54] : memref<10240x128xf32, #tpu.memory_space<vmem_shared>> -> memref<80x128xf32, #tpu.memory_space<vmem_shared>>
      tpu.wait_dma2 semaphore(%run_scoped3A : memref<!tpu.dma_semaphore, #tpu.memory_space<semaphore_mem>>) src(%arg9 : memref<80x128xf32, #tpu.memory_space<vmem>>) dst(%dma_wait3A_55 : memref<80x128xf32, #tpu.memory_space<vmem_shared>>)
      tpu.yield
    }) : () -> ()
    %mul3A_7 = arith.constant 640 : i32
    %mul3A_8 = arith.muli %arg1, %mul3A_7 : i32
    %add3A_9 = arith.constant 80 : i32
    %add3A_10 = arith.addi %mul3A_8, %add3A_9 : i32
    "tpu.region"() ({
      %run_scoped3A = tpu.sem_alloc : memref<!tpu.dma_semaphore, #tpu.memory_space<semaphore_mem>>
      %dma_start3A_49 = arith.constant 0 : i32
      %dma_start3A_50 = tpu.memref_slice %arg11[%add3A_10, %dma_start3A_49] : memref<10240x128xf32, #tpu.memory_space<vmem_shared>> -> memref<80x128xf32, #tpu.memory_space<vmem_shared>>
      %dma_start3A_51 = arith.constant 0 : i32
      %dma_start3A_52 = tpu.memref_slice %arg11[%add3A_10, %dma_start3A_51] : memref<10240x128xf32, #tpu.memory_space<vmem_shared>> -> memref<80x128xf32, #tpu.memory_space<vmem_shared>>
      tpu.enqueue_dma source(%arg9 : memref<80x128xf32, #tpu.memory_space<vmem>>) target(%dma_start3A_52 : memref<80x128xf32, #tpu.memory_space<vmem_shared>>) target_semaphore(%run_scoped3A : memref<!tpu.dma_semaphore, #tpu.memory_space<semaphore_mem>>)
      %dma_wait3A = arith.constant 0 : i32
      %dma_wait3A_53 = tpu.memref_slice %arg11[%add3A_10, %dma_wait3A] : memref<10240x128xf32, #tpu.memory_space<vmem_shared>> -> memref<80x128xf32, #tpu.memory_space<vmem_shared>>
      %dma_wait3A_54 = arith.constant 0 : i32
      %dma_wait3A_55 = tpu.memref_slice %arg11[%add3A_10, %dma_wait3A_54] : memref<10240x128xf32, #tpu.memory_space<vmem_shared>> -> memref<80x128xf32, #tpu.memory_space<vmem_shared>>
      tpu.wait_dma2 semaphore(%run_scoped3A : memref<!tpu.dma_semaphore, #tpu.memory_space<semaphore_mem>>) src(%arg9 : memref<80x128xf32, #tpu.memory_space<vmem>>) dst(%dma_wait3A_55 : memref<80x128xf32, #tpu.memory_space<vmem_shared>>)
      tpu.yield
    }) : () -> ()
    %mul3A_11 = arith.constant 640 : i32
    %mul3A_12 = arith.muli %arg1, %mul3A_11 : i32
    %add3A_13 = arith.constant 160 : i32
    %add3A_14 = arith.addi %mul3A_12, %add3A_13 : i32
    "tpu.region"() ({
      %run_scoped3A = tpu.sem_alloc : memref<!tpu.dma_semaphore, #tpu.memory_space<semaphore_mem>>
      %dma_start3A_49 = arith.constant 0 : i32
      %dma_start3A_50 = tpu.memref_slice %arg11[%add3A_14, %dma_start3A_49] : memref<10240x128xf32, #tpu.memory_space<vmem_shared>> -> memref<80x128xf32, #tpu.memory_space<vmem_shared>>
      %dma_start3A_51 = arith.constant 0 : i32
      %dma_start3A_52 = tpu.memref_slice %arg11[%add3A_14, %dma_start3A_51] : memref<10240x128xf32, #tpu.memory_space<vmem_shared>> -> memref<80x128xf32, #tpu.memory_space<vmem_shared>>
      tpu.enqueue_dma source(%arg9 : memref<80x128xf32, #tpu.memory_space<vmem>>) target(%dma_start3A_52 : memref<80x128xf32, #tpu.memory_space<vmem_shared>>) target_semaphore(%run_scoped3A : memref<!tpu.dma_semaphore, #tpu.memory_space<semaphore_mem>>)
      %dma_wait3A = arith.constant 0 : i32
      %dma_wait3A_53 = tpu.memref_slice %arg11[%add3A_14, %dma_wait3A] : memref<10240x128xf32, #tpu.memory_space<vmem_shared>> -> memref<80x128xf32, #tpu.memory_space<vmem_shared>>
      %dma_wait3A_54 = arith.constant 0 : i32
      %dma_wait3A_55 = tpu.memref_slice %arg11[%add3A_14, %dma_wait3A_54] : memref<10240x128xf32, #tpu.memory_space<vmem_shared>> -> memref<80x128xf32, #tpu.memory_space<vmem_shared>>
      tpu.wait_dma2 semaphore(%run_scoped3A : memref<!tpu.dma_semaphore, #tpu.memory_space<semaphore_mem>>) src(%arg9 : memref<80x128xf32, #tpu.memory_space<vmem>>) dst(%dma_wait3A_55 : memref<80x128xf32, #tpu.memory_space<vmem_shared>>)
      tpu.yield
    }) : () -> ()
    %mul3A_15 = arith.constant 640 : i32
    %mul3A_16 = arith.muli %arg1, %mul3A_15 : i32
    %add3A_17 = arith.constant 240 : i32
    %add3A_18 = arith.addi %mul3A_16, %add3A_17 : i32
    "tpu.region"() ({
      %run_scoped3A = tpu.sem_alloc : memref<!tpu.dma_semaphore, #tpu.memory_space<semaphore_mem>>
      %dma_start3A_49 = arith.constant 0 : i32
      %dma_start3A_50 = tpu.memref_slice %arg11[%add3A_18, %dma_start3A_49] : memref<10240x128xf32, #tpu.memory_space<vmem_shared>> -> memref<80x128xf32, #tpu.memory_space<vmem_shared>>
      %dma_start3A_51 = arith.constant 0 : i32
      %dma_start3A_52 = tpu.memref_slice %arg11[%add3A_18, %dma_start3A_51] : memref<10240x128xf32, #tpu.memory_space<vmem_shared>> -> memref<80x128xf32, #tpu.memory_space<vmem_shared>>
      tpu.enqueue_dma source(%arg9 : memref<80x128xf32, #tpu.memory_space<vmem>>) target(%dma_start3A_52 : memref<80x128xf32, #tpu.memory_space<vmem_shared>>) target_semaphore(%run_scoped3A : memref<!tpu.dma_semaphore, #tpu.memory_space<semaphore_mem>>)
      %dma_wait3A = arith.constant 0 : i32
      %dma_wait3A_53 = tpu.memref_slice %arg11[%add3A_18, %dma_wait3A] : memref<10240x128xf32, #tpu.memory_space<vmem_shared>> -> memref<80x128xf32, #tpu.memory_space<vmem_shared>>
      %dma_wait3A_54 = arith.constant 0 : i32
      %dma_wait3A_55 = tpu.memref_slice %arg11[%add3A_18, %dma_wait3A_54] : memref<10240x128xf32, #tpu.memory_space<vmem_shared>> -> memref<80x128xf32, #tpu.memory_space<vmem_shared>>
      tpu.wait_dma2 semaphore(%run_scoped3A : memref<!tpu.dma_semaphore, #tpu.memory_space<semaphore_mem>>) src(%arg9 : memref<80x128xf32, #tpu.memory_space<vmem>>) dst(%dma_wait3A_55 : memref<80x128xf32, #tpu.memory_space<vmem_shared>>)
      tpu.yield
    }) : () -> ()
    %mul3A_19 = arith.constant 640 : i32
    %mul3A_20 = arith.muli %arg1, %mul3A_19 : i32
    %add3A_21 = arith.constant 320 : i32
    %add3A_22 = arith.addi %mul3A_20, %add3A_21 : i32
    "tpu.region"() ({
      %run_scoped3A = tpu.sem_alloc : memref<!tpu.dma_semaphore, #tpu.memory_space<semaphore_mem>>
      %dma_start3A_49 = arith.constant 0 : i32
      %dma_start3A_50 = tpu.memref_slice %arg11[%add3A_22, %dma_start3A_49] : memref<10240x128xf32, #tpu.memory_space<vmem_shared>> -> memref<80x128xf32, #tpu.memory_space<vmem_shared>>
      %dma_start3A_51 = arith.constant 0 : i32
      %dma_start3A_52 = tpu.memref_slice %arg11[%add3A_22, %dma_start3A_51] : memref<10240x128xf32, #tpu.memory_space<vmem_shared>> -> memref<80x128xf32, #tpu.memory_space<vmem_shared>>
      tpu.enqueue_dma source(%arg9 : memref<80x128xf32, #tpu.memory_space<vmem>>) target(%dma_start3A_52 : memref<80x128xf32, #tpu.memory_space<vmem_shared>>) target_semaphore(%run_scoped3A : memref<!tpu.dma_semaphore, #tpu.memory_space<semaphore_mem>>)
      %dma_wait3A = arith.constant 0 : i32
      %dma_wait3A_53 = tpu.memref_slice %arg11[%add3A_22, %dma_wait3A] : memref<10240x128xf32, #tpu.memory_space<vmem_shared>> -> memref<80x128xf32, #tpu.memory_space<vmem_shared>>
      %dma_wait3A_54 = arith.constant 0 : i32
      %dma_wait3A_55 = tpu.memref_slice %arg11[%add3A_22, %dma_wait3A_54] : memref<10240x128xf32, #tpu.memory_space<vmem_shared>> -> memref<80x128xf32, #tpu.memory_space<vmem_shared>>
      tpu.wait_dma2 semaphore(%run_scoped3A : memref<!tpu.dma_semaphore, #tpu.memory_space<semaphore_mem>>) src(%arg9 : memref<80x128xf32, #tpu.memory_space<vmem>>) dst(%dma_wait3A_55 : memref<80x128xf32, #tpu.memory_space<vmem_shared>>)
      tpu.yield
    }) : () -> ()
    %mul3A_23 = arith.constant 640 : i32
    %mul3A_24 = arith.muli %arg1, %mul3A_23 : i32
    %add3A_25 = arith.constant 400 : i32
    %add3A_26 = arith.addi %mul3A_24, %add3A_25 : i32
    "tpu.region"() ({
      %run_scoped3A = tpu.sem_alloc : memref<!tpu.dma_semaphore, #tpu.memory_space<semaphore_mem>>
      %dma_start3A_49 = arith.constant 0 : i32
      %dma_start3A_50 = tpu.memref_slice %arg11[%add3A_26, %dma_start3A_49] : memref<10240x128xf32, #tpu.memory_space<vmem_shared>> -> memref<80x128xf32, #tpu.memory_space<vmem_shared>>
      %dma_start3A_51 = arith.constant 0 : i32
      %dma_start3A_52 = tpu.memref_slice %arg11[%add3A_26, %dma_start3A_51] : memref<10240x128xf32, #tpu.memory_space<vmem_shared>> -> memref<80x128xf32, #tpu.memory_space<vmem_shared>>
      tpu.enqueue_dma source(%arg9 : memref<80x128xf32, #tpu.memory_space<vmem>>) target(%dma_start3A_52 : memref<80x128xf32, #tpu.memory_space<vmem_shared>>) target_semaphore(%run_scoped3A : memref<!tpu.dma_semaphore, #tpu.memory_space<semaphore_mem>>)
      %dma_wait3A = arith.constant 0 : i32
      %dma_wait3A_53 = tpu.memref_slice %arg11[%add3A_26, %dma_wait3A] : memref<10240x128xf32, #tpu.memory_space<vmem_shared>> -> memref<80x128xf32, #tpu.memory_space<vmem_shared>>
      %dma_wait3A_54 = arith.constant 0 : i32
      %dma_wait3A_55 = tpu.memref_slice %arg11[%add3A_26, %dma_wait3A_54] : memref<10240x128xf32, #tpu.memory_space<vmem_shared>> -> memref<80x128xf32, #tpu.memory_space<vmem_shared>>
      tpu.wait_dma2 semaphore(%run_scoped3A : memref<!tpu.dma_semaphore, #tpu.memory_space<semaphore_mem>>) src(%arg9 : memref<80x128xf32, #tpu.memory_space<vmem>>) dst(%dma_wait3A_55 : memref<80x128xf32, #tpu.memory_space<vmem_shared>>)
      tpu.yield
    }) : () -> ()
    %mul3A_27 = arith.constant 640 : i32
    %mul3A_28 = arith.muli %arg1, %mul3A_27 : i32
    %add3A_29 = arith.constant 480 : i32
    %add3A_30 = arith.addi %mul3A_28, %add3A_29 : i32
    "tpu.region"() ({
      %run_scoped3A = tpu.sem_alloc : memref<!tpu.dma_semaphore, #tpu.memory_space<semaphore_mem>>
      %dma_start3A_49 = arith.constant 0 : i32
      %dma_start3A_50 = tpu.memref_slice %arg11[%add3A_30, %dma_start3A_49] : memref<10240x128xf32, #tpu.memory_space<vmem_shared>> -> memref<80x128xf32, #tpu.memory_space<vmem_shared>>
      %dma_start3A_51 = arith.constant 0 : i32
      %dma_start3A_52 = tpu.memref_slice %arg11[%add3A_30, %dma_start3A_51] : memref<10240x128xf32, #tpu.memory_space<vmem_shared>> -> memref<80x128xf32, #tpu.memory_space<vmem_shared>>
      tpu.enqueue_dma source(%arg9 : memref<80x128xf32, #tpu.memory_space<vmem>>) target(%dma_start3A_52 : memref<80x128xf32, #tpu.memory_space<vmem_shared>>) target_semaphore(%run_scoped3A : memref<!tpu.dma_semaphore, #tpu.memory_space<semaphore_mem>>)
      %dma_wait3A = arith.constant 0 : i32
      %dma_wait3A_53 = tpu.memref_slice %arg11[%add3A_30, %dma_wait3A] : memref<10240x128xf32, #tpu.memory_space<vmem_shared>> -> memref<80x128xf32, #tpu.memory_space<vmem_shared>>
      %dma_wait3A_54 = arith.constant 0 : i32
      %dma_wait3A_55 = tpu.memref_slice %arg11[%add3A_30, %dma_wait3A_54] : memref<10240x128xf32, #tpu.memory_space<vmem_shared>> -> memref<80x128xf32, #tpu.memory_space<vmem_shared>>
      tpu.wait_dma2 semaphore(%run_scoped3A : memref<!tpu.dma_semaphore, #tpu.memory_space<semaphore_mem>>) src(%arg9 : memref<80x128xf32, #tpu.memory_space<vmem>>) dst(%dma_wait3A_55 : memref<80x128xf32, #tpu.memory_space<vmem_shared>>)
      tpu.yield
    }) : () -> ()
    %mul3A_31 = arith.constant 640 : i32
    %mul3A_32 = arith.muli %arg1, %mul3A_31 : i32
    %add3A_33 = arith.constant 560 : i32
    %add3A_34 = arith.addi %mul3A_32, %add3A_33 : i32
    "tpu.region"() ({
      %run_scoped3A = tpu.sem_alloc : memref<!tpu.dma_semaphore, #tpu.memory_space<semaphore_mem>>
      %dma_start3A_49 = arith.constant 0 : i32
      %dma_start3A_50 = tpu.memref_slice %arg11[%add3A_34, %dma_start3A_49] : memref<10240x128xf32, #tpu.memory_space<vmem_shared>> -> memref<80x128xf32, #tpu.memory_space<vmem_shared>>
      %dma_start3A_51 = arith.constant 0 : i32
      %dma_start3A_52 = tpu.memref_slice %arg11[%add3A_34, %dma_start3A_51] : memref<10240x128xf32, #tpu.memory_space<vmem_shared>> -> memref<80x128xf32, #tpu.memory_space<vmem_shared>>
      tpu.enqueue_dma source(%arg9 : memref<80x128xf32, #tpu.memory_space<vmem>>) target(%dma_start3A_52 : memref<80x128xf32, #tpu.memory_space<vmem_shared>>) target_semaphore(%run_scoped3A : memref<!tpu.dma_semaphore, #tpu.memory_space<semaphore_mem>>)
      %dma_wait3A = arith.constant 0 : i32
      %dma_wait3A_53 = tpu.memref_slice %arg11[%add3A_34, %dma_wait3A] : memref<10240x128xf32, #tpu.memory_space<vmem_shared>> -> memref<80x128xf32, #tpu.memory_space<vmem_shared>>
      %dma_wait3A_54 = arith.constant 0 : i32
      %dma_wait3A_55 = tpu.memref_slice %arg11[%add3A_34, %dma_wait3A_54] : memref<10240x128xf32, #tpu.memory_space<vmem_shared>> -> memref<80x128xf32, #tpu.memory_space<vmem_shared>>
      tpu.wait_dma2 semaphore(%run_scoped3A : memref<!tpu.dma_semaphore, #tpu.memory_space<semaphore_mem>>) src(%arg9 : memref<80x128xf32, #tpu.memory_space<vmem>>) dst(%dma_wait3A_55 : memref<80x128xf32, #tpu.memory_space<vmem_shared>>)
      tpu.yield
    }) : () -> ()
    %barrier3A = arith.constant 0 : index
    tpu.barrier barrier_id(%barrier3A)
    %dma_start3A = arith.constant 0 : i32
    %dma_start3A_35 = tpu.memref_slice %arg7[%dma_start3A] : memref<10000xi32, #tpu.memory_space<vmem>> -> memref<80xi32, #tpu.memory_space<vmem>>
    %dma_start3A_36 = arith.constant 0 : i32
    %dma_start3A_37 = arith.constant 0 : i32
    %dma_start3A_38 = tpu.memref_slice %arg2[%dma_start3A_36, %dma_start3A_37] : memref<10240x128xf32, #tpu.memory_space<hbm>> -> memref<10240x128xf32, #tpu.memory_space<hbm>>
    tpu.enqueue_indirect_dma source(%dma_start3A_38 : memref<10240x128xf32, #tpu.memory_space<hbm>>) target(%arg9 : memref<80x128xf32, #tpu.memory_space<vmem>>) offsets(%dma_start3A_35 : memref<80xi32, #tpu.memory_space<vmem>>) semaphore(%arg12 : memref<!tpu.dma_semaphore, #tpu.memory_space<semaphore_mem>>)
    %scan3A = arith.constant 0 : i32
    %scan3A_39 = arith.constant 0 : i32
    %scan3A_40 = arith.constant 125 : i32
    %scan3A_41 = arith.addi %scan3A_39, %scan3A_40 : i32
    %scan3A_42 = arith.constant 1 : i32
    scf.for %scan3A_49 = %scan3A_39 to %scan3A_41 step %scan3A_42  : i32 {
      %jit3A = arith.constant 2 : i32
      %eq3A = arith.constant 0 : i32
      %eq3A_50 = arith.cmpi eq, %jit3A, %eq3A : i32
      %jit3A_51 = arith.constant 1 : i32
      %select_n3A = arith.select %eq3A_50, %jit3A_51, %jit3A : i32
      %rem3A = arith.remsi %scan3A_49, %select_n3A : i32
      %ne3A = arith.constant 0 : i32
      %ne3A_52 = arith.cmpi ne, %rem3A, %ne3A : i32
      %lt3A = arith.constant 0 : i32
      %lt3A_53 = arith.cmpi slt, %rem3A, %lt3A : i32
      %lt3A_54 = arith.constant 0 : i32
      %lt3A_55 = arith.cmpi slt, %select_n3A, %lt3A_54 : i32
      %ne3A_56 = arith.xori %lt3A_53, %lt3A_55 : i1
      %and3A = arith.andi %ne3A_56, %ne3A_52 : i1
      %add3A_57 = arith.addi %rem3A, %select_n3A : i32
      %select_n3A_58 = arith.select %and3A, %add3A_57, %rem3A : i32
      %eq3A_59 = arith.constant 0 : i32
      %eq3A_60 = arith.cmpi eq, %select_n3A_58, %eq3A_59 : i32
      %convert_element_type3A = arith.extui %eq3A_60 : i1 to i32
      %cond3A = arith.constant 0 : i32
      %cond3A_61 = arith.cmpi ne, %convert_element_type3A, %cond3A : i32
      scf.if %cond3A_61 {
        %add3A_83 = arith.constant 1 : i32
        %add3A_84 = arith.addi %scan3A_49, %add3A_83 : i32
        %lt3A_85 = arith.constant 125 : i32
        %lt3A_86 = arith.cmpi slt, %add3A_84, %lt3A_85 : i32
        %convert_element_type3A_87 = arith.extui %lt3A_86 : i1 to i32
        %cond3A_88 = arith.constant 0 : i32
        %cond3A_89 = arith.cmpi ne, %convert_element_type3A_87, %cond3A_88 : i32
        scf.if %cond3A_89 {
          %add3A_95 = arith.constant 1 : i32
          %add3A_96 = arith.addi %scan3A_49, %add3A_95 : i32
          %mul3A_97 = arith.constant 80 : i32
          %mul3A_98 = arith.muli %add3A_96, %mul3A_97 : i32
          %dma_start3A_99 = tpu.memref_slice %arg7[%mul3A_98] : memref<10000xi32, #tpu.memory_space<vmem>> -> memref<80xi32, #tpu.memory_space<vmem>>
          %dma_start3A_100 = arith.constant 0 : i32
          %dma_start3A_101 = arith.constant 0 : i32
          %dma_start3A_102 = tpu.memref_slice %arg2[%dma_start3A_100, %dma_start3A_101] : memref<10240x128xf32, #tpu.memory_space<hbm>> -> memref<10240x128xf32, #tpu.memory_space<hbm>>
          tpu.enqueue_indirect_dma source(%dma_start3A_102 : memref<10240x128xf32, #tpu.memory_space<hbm>>) target(%arg10 : memref<80x128xf32, #tpu.memory_space<vmem>>) offsets(%dma_start3A_99 : memref<80xi32, #tpu.memory_space<vmem>>) semaphore(%arg13 : memref<!tpu.dma_semaphore, #tpu.memory_space<semaphore_mem>>)
        } else {
        }
        %dma_wait3A = arith.constant 0 : i32
        %dma_wait3A_90 = arith.constant 0 : i32
        %dma_wait3A_91 = tpu.memref_slice %arg5[%dma_wait3A, %dma_wait3A_90] : memref<640x128xf32, #tpu.memory_space<hbm>> -> memref<80x128xf32, #tpu.memory_space<hbm>>
        %dma_wait3A_92 = arith.constant 0 : i32
        %dma_wait3A_93 = arith.constant 0 : i32
        %dma_wait3A_94 = tpu.memref_slice %arg5[%dma_wait3A_92, %dma_wait3A_93] : memref<640x128xf32, #tpu.memory_space<hbm>> -> memref<80x128xf32, #tpu.memory_space<hbm>>
        tpu.wait_dma2 semaphore(%arg12 : memref<!tpu.dma_semaphore, #tpu.memory_space<semaphore_mem>>) src(%dma_wait3A_94 : memref<80x128xf32, #tpu.memory_space<hbm>>) dst(%arg9 : memref<80x128xf32, #tpu.memory_space<vmem>>)
        "tpu.region"() ({
          %run_scoped3A = tpu.sem_alloc : memref<!tpu.dma_semaphore, #tpu.memory_space<semaphore_mem>>
          %dma_start3A_95 = arith.constant 0 : i32
          %dma_start3A_96 = tpu.memref_slice %arg8[%scan3A_49, %dma_start3A_95] : memref<125x80xi32, #tpu.memory_space<vmem>> -> memref<1x80xi32, #tpu.memory_space<vmem>>
          %dma_start3A_97 = tpu.memref_squeeze %dma_start3A_96 : memref<1x80xi32, #tpu.memory_space<vmem>> -> memref<80xi32, #tpu.memory_space<vmem>>
          %dma_start3A_98 = arith.constant 0 : i32
          %dma_start3A_99 = arith.constant 0 : i32
          %dma_start3A_100 = tpu.memref_slice %arg11[%dma_start3A_98, %dma_start3A_99] : memref<10240x128xf32, #tpu.memory_space<vmem_shared>> -> memref<10240x128xf32, #tpu.memory_space<vmem_shared>>
          tpu.enqueue_indirect_dma source(%arg9 : memref<80x128xf32, #tpu.memory_space<vmem>>) target(%dma_start3A_100 : memref<10240x128xf32, #tpu.memory_space<vmem_shared>>) offsets(%dma_start3A_97 : memref<80xi32, #tpu.memory_space<vmem>>) semaphore(%run_scoped3A : memref<!tpu.dma_semaphore, #tpu.memory_space<semaphore_mem>>) {add = true}
          %dma_wait3A_101 = arith.constant 0 : i32
          %dma_wait3A_102 = tpu.memref_slice %arg8[%scan3A_49, %dma_wait3A_101] : memref<125x80xi32, #tpu.memory_space<vmem>> -> memref<1x80xi32, #tpu.memory_space<vmem>>
          %dma_wait3A_103 = tpu.memref_squeeze %dma_wait3A_102 : memref<1x80xi32, #tpu.memory_space<vmem>> -> memref<80xi32, #tpu.memory_space<vmem>>
          %dma_wait3A_104 = arith.constant 0 : i32
          %dma_wait3A_105 = arith.constant 0 : i32
          %dma_wait3A_106 = tpu.memref_slice %arg11[%dma_wait3A_104, %dma_wait3A_105] : memref<10240x128xf32, #tpu.memory_space<vmem_shared>> -> memref<10240x128xf32, #tpu.memory_space<vmem_shared>>
          tpu.wait_indirect_dma semaphore(%run_scoped3A : memref<!tpu.dma_semaphore, #tpu.memory_space<semaphore_mem>>) src(%arg9 : memref<80x128xf32, #tpu.memory_space<vmem>>) dst(%dma_wait3A_106 : memref<10240x128xf32, #tpu.memory_space<vmem_shared>>)
          tpu.yield
        }) : () -> ()
      } else {
      }
      %jit3A_62 = arith.constant 2 : i32
      %eq3A_63 = arith.constant 0 : i32
      %eq3A_64 = arith.cmpi eq, %jit3A_62, %eq3A_63 : i32
      %jit3A_65 = arith.constant 1 : i32
      %select_n3A_66 = arith.select %eq3A_64, %jit3A_65, %jit3A_62 : i32
      %rem3A_67 = arith.remsi %scan3A_49, %select_n3A_66 : i32
      %ne3A_68 = arith.constant 0 : i32
      %ne3A_69 = arith.cmpi ne, %rem3A_67, %ne3A_68 : i32
      %lt3A_70 = arith.constant 0 : i32
      %lt3A_71 = arith.cmpi slt, %rem3A_67, %lt3A_70 : i32
      %lt3A_72 = arith.constant 0 : i32
      %lt3A_73 = arith.cmpi slt, %select_n3A_66, %lt3A_72 : i32
      %ne3A_74 = arith.xori %lt3A_71, %lt3A_73 : i1
      %and3A_75 = arith.andi %ne3A_74, %ne3A_69 : i1
      %add3A_76 = arith.addi %rem3A_67, %select_n3A_66 : i32
      %select_n3A_77 = arith.select %and3A_75, %add3A_76, %rem3A_67 : i32
      %eq3A_78 = arith.constant 1 : i32
      %eq3A_79 = arith.cmpi eq, %select_n3A_77, %eq3A_78 : i32
      %convert_element_type3A_80 = arith.extui %eq3A_79 : i1 to i32
      %cond3A_81 = arith.constant 0 : i32
      %cond3A_82 = arith.cmpi ne, %convert_element_type3A_80, %cond3A_81 : i32
      scf.if %cond3A_82 {
        %add3A_83 = arith.constant 1 : i32
        %add3A_84 = arith.addi %scan3A_49, %add3A_83 : i32
        %lt3A_85 = arith.constant 125 : i32
        %lt3A_86 = arith.cmpi slt, %add3A_84, %lt3A_85 : i32
        %convert_element_type3A_87 = arith.extui %lt3A_86 : i1 to i32
        %cond3A_88 = arith.constant 0 : i32
        %cond3A_89 = arith.cmpi ne, %convert_element_type3A_87, %cond3A_88 : i32
        scf.if %cond3A_89 {
          %add3A_95 = arith.constant 1 : i32
          %add3A_96 = arith.addi %scan3A_49, %add3A_95 : i32
          %mul3A_97 = arith.constant 80 : i32
          %mul3A_98 = arith.muli %add3A_96, %mul3A_97 : i32
          %dma_start3A_99 = tpu.memref_slice %arg7[%mul3A_98] : memref<10000xi32, #tpu.memory_space<vmem>> -> memref<80xi32, #tpu.memory_space<vmem>>
          %dma_start3A_100 = arith.constant 0 : i32
          %dma_start3A_101 = arith.constant 0 : i32
          %dma_start3A_102 = tpu.memref_slice %arg2[%dma_start3A_100, %dma_start3A_101] : memref<10240x128xf32, #tpu.memory_space<hbm>> -> memref<10240x128xf32, #tpu.memory_space<hbm>>
          tpu.enqueue_indirect_dma source(%dma_start3A_102 : memref<10240x128xf32, #tpu.memory_space<hbm>>) target(%arg9 : memref<80x128xf32, #tpu.memory_space<vmem>>) offsets(%dma_start3A_99 : memref<80xi32, #tpu.memory_space<vmem>>) semaphore(%arg12 : memref<!tpu.dma_semaphore, #tpu.memory_space<semaphore_mem>>)
        } else {
        }
        %dma_wait3A = arith.constant 0 : i32
        %dma_wait3A_90 = arith.constant 0 : i32
        %dma_wait3A_91 = tpu.memref_slice %arg5[%dma_wait3A, %dma_wait3A_90] : memref<640x128xf32, #tpu.memory_space<hbm>> -> memref<80x128xf32, #tpu.memory_space<hbm>>
        %dma_wait3A_92 = arith.constant 0 : i32
        %dma_wait3A_93 = arith.constant 0 : i32
        %dma_wait3A_94 = tpu.memref_slice %arg5[%dma_wait3A_92, %dma_wait3A_93] : memref<640x128xf32, #tpu.memory_space<hbm>> -> memref<80x128xf32, #tpu.memory_space<hbm>>
        tpu.wait_dma2 semaphore(%arg13 : memref<!tpu.dma_semaphore, #tpu.memory_space<semaphore_mem>>) src(%dma_wait3A_94 : memref<80x128xf32, #tpu.memory_space<hbm>>) dst(%arg10 : memref<80x128xf32, #tpu.memory_space<vmem>>)
        "tpu.region"() ({
          %run_scoped3A = tpu.sem_alloc : memref<!tpu.dma_semaphore, #tpu.memory_space<semaphore_mem>>
          %dma_start3A_95 = arith.constant 0 : i32
          %dma_start3A_96 = tpu.memref_slice %arg8[%scan3A_49, %dma_start3A_95] : memref<125x80xi32, #tpu.memory_space<vmem>> -> memref<1x80xi32, #tpu.memory_space<vmem>>
          %dma_start3A_97 = tpu.memref_squeeze %dma_start3A_96 : memref<1x80xi32, #tpu.memory_space<vmem>> -> memref<80xi32, #tpu.memory_space<vmem>>
          %dma_start3A_98 = arith.constant 0 : i32
          %dma_start3A_99 = arith.constant 0 : i32
          %dma_start3A_100 = tpu.memref_slice %arg11[%dma_start3A_98, %dma_start3A_99] : memref<10240x128xf32, #tpu.memory_space<vmem_shared>> -> memref<10240x128xf32, #tpu.memory_space<vmem_shared>>
          tpu.enqueue_indirect_dma source(%arg10 : memref<80x128xf32, #tpu.memory_space<vmem>>) target(%dma_start3A_100 : memref<10240x128xf32, #tpu.memory_space<vmem_shared>>) offsets(%dma_start3A_97 : memref<80xi32, #tpu.memory_space<vmem>>) semaphore(%run_scoped3A : memref<!tpu.dma_semaphore, #tpu.memory_space<semaphore_mem>>) {add = true}
          %dma_wait3A_101 = arith.constant 0 : i32
          %dma_wait3A_102 = tpu.memref_slice %arg8[%scan3A_49, %dma_wait3A_101] : memref<125x80xi32, #tpu.memory_space<vmem>> -> memref<1x80xi32, #tpu.memory_space<vmem>>
          %dma_wait3A_103 = tpu.memref_squeeze %dma_wait3A_102 : memref<1x80xi32, #tpu.memory_space<vmem>> -> memref<80xi32, #tpu.memory_space<vmem>>
          %dma_wait3A_104 = arith.constant 0 : i32
          %dma_wait3A_105 = arith.constant 0 : i32
          %dma_wait3A_106 = tpu.memref_slice %arg11[%dma_wait3A_104, %dma_wait3A_105] : memref<10240x128xf32, #tpu.memory_space<vmem_shared>> -> memref<10240x128xf32, #tpu.memory_space<vmem_shared>>
          tpu.wait_indirect_dma semaphore(%run_scoped3A : memref<!tpu.dma_semaphore, #tpu.memory_space<semaphore_mem>>) src(%arg10 : memref<80x128xf32, #tpu.memory_space<vmem>>) dst(%dma_wait3A_106 : memref<10240x128xf32, #tpu.memory_space<vmem_shared>>)
          tpu.yield
        }) : () -> ()
      } else {
      }
    }
    %scan3A_43 = arith.constant 125 : i32
    %barrier3A_44 = arith.constant 0 : index
    tpu.barrier barrier_id(%barrier3A_44)
    %mul3A_45 = arith.constant 640 : i32
    %mul3A_46 = arith.muli %arg1, %mul3A_45 : i32
    %mul3A_47 = arith.constant 640 : i32
    %mul3A_48 = arith.muli %arg1, %mul3A_47 : i32
    "tpu.region"() ({
      %run_scoped3A = tpu.sem_alloc : memref<!tpu.dma_semaphore, #tpu.memory_space<semaphore_mem>>
      %dma_start3A_49 = arith.constant 0 : i32
      %dma_start3A_50 = tpu.memref_slice %arg6[%arg0, %mul3A_48, %dma_start3A_49] : memref<2x10240x128xf32, #tpu.memory_space<hbm>> -> memref<1x640x128xf32, #tpu.memory_space<hbm>>
      %dma_start3A_51 = tpu.memref_squeeze %dma_start3A_50 : memref<1x640x128xf32, #tpu.memory_space<hbm>> -> memref<640x128xf32, #tpu.memory_space<hbm>>
      %dma_start3A_52 = arith.constant 0 : i32
      %dma_start3A_53 = tpu.memref_slice %arg11[%mul3A_46, %dma_start3A_52] : memref<10240x128xf32, #tpu.memory_space<vmem_shared>> -> memref<640x128xf32, #tpu.memory_space<vmem_shared>>
      tpu.enqueue_dma source(%dma_start3A_53 : memref<640x128xf32, #tpu.memory_space<vmem_shared>>) target(%dma_start3A_51 : memref<640x128xf32, #tpu.memory_space<hbm>>) target_semaphore(%run_scoped3A : memref<!tpu.dma_semaphore, #tpu.memory_space<semaphore_mem>>)
      %dma_wait3A = arith.constant 0 : i32
      %dma_wait3A_54 = tpu.memref_slice %arg6[%arg0, %mul3A_48, %dma_wait3A] : memref<2x10240x128xf32, #tpu.memory_space<hbm>> -> memref<1x640x128xf32, #tpu.memory_space<hbm>>
      %dma_wait3A_55 = tpu.memref_squeeze %dma_wait3A_54 : memref<1x640x128xf32, #tpu.memory_space<hbm>> -> memref<640x128xf32, #tpu.memory_space<hbm>>
      %dma_wait3A_56 = arith.constant 0 : i32
      %dma_wait3A_57 = tpu.memref_slice %arg11[%mul3A_46, %dma_wait3A_56] : memref<10240x128xf32, #tpu.memory_space<vmem_shared>> -> memref<640x128xf32, #tpu.memory_space<vmem_shared>>
      tpu.wait_dma2 semaphore(%run_scoped3A : memref<!tpu.dma_semaphore, #tpu.memory_space<semaphore_mem>>) src(%dma_wait3A_57 : memref<640x128xf32, #tpu.memory_space<vmem_shared>>) dst(%dma_wait3A_55 : memref<640x128xf32, #tpu.memory_space<hbm>>)
      tpu.yield
    }) : () -> ()
    return
  }
}

#map = affine_map<(d0, d1) -> (0, 0, 0, 0)>
#map1 = affine_map<(d0, d1) -> (0, 0)>
#map2 = affine_map<(d0, d1) -> (0, 0, 0)>
module attributes {stable_mosaic.version = 14 : i64} {
  func.func @_deg_kernel(%arg0: i32, %arg1: i32, %arg2: memref<2x16x250x80xi32, #tpu.memory_space<hbm>>, %arg3: memref<80x128xf32, #tpu.memory_space<hbm>>, %arg4: memref<640x128xf32, #tpu.memory_space<hbm>>, %arg5: memref<2x10240x128xf32, #tpu.memory_space<hbm>>, %arg6: memref<250x80xi32, #tpu.memory_space<vmem>>, %arg7: memref<80x128xf32, #tpu.memory_space<vmem>>, %arg8: memref<10240x128xf32, #tpu.memory_space<vmem_shared>>, %arg9: memref<!tpu.dma_semaphore, #tpu.memory_space<semaphore_mem>>) attributes {dimension_semantics = [#tpu.dimension_semantics<core_parallel>, #tpu.dimension_semantics<subcore_parallel>], iteration_bounds = array<i64: 2, 16>, scalar_prefetch = 0 : i64, scratch_operands = 4 : i64, tpu.core_type = #tpu.core_type<sc_vector_subcore>, window_params = [{transform_indices = #map}, {transform_indices = #map1}, {transform_indices = #map1}, {transform_indices = #map2}]} {
    "tpu.region"() ({
      %run_scoped3A = tpu.sem_alloc : memref<!tpu.dma_semaphore, #tpu.memory_space<semaphore_mem>>
      %dma_start3A = arith.constant 0 : i32
      %dma_start3A_17 = arith.constant 0 : i32
      %dma_start3A_18 = tpu.memref_slice %arg2[%arg0, %arg1, %dma_start3A, %dma_start3A_17] : memref<2x16x250x80xi32, #tpu.memory_space<hbm>> -> memref<1x1x250x80xi32, #tpu.memory_space<hbm>>
      %dma_start3A_19 = tpu.memref_squeeze %dma_start3A_18 : memref<1x1x250x80xi32, #tpu.memory_space<hbm>> -> memref<250x80xi32, #tpu.memory_space<hbm>>
      %dma_start3A_20 = arith.constant 0 : i32
      %dma_start3A_21 = arith.constant 0 : i32
      %dma_start3A_22 = tpu.memref_slice %arg2[%arg0, %arg1, %dma_start3A_20, %dma_start3A_21] : memref<2x16x250x80xi32, #tpu.memory_space<hbm>> -> memref<1x1x250x80xi32, #tpu.memory_space<hbm>>
      %dma_start3A_23 = tpu.memref_squeeze %dma_start3A_22 : memref<1x1x250x80xi32, #tpu.memory_space<hbm>> -> memref<250x80xi32, #tpu.memory_space<hbm>>
      tpu.enqueue_dma source(%dma_start3A_23 : memref<250x80xi32, #tpu.memory_space<hbm>>) target(%arg6 : memref<250x80xi32, #tpu.memory_space<vmem>>) target_semaphore(%run_scoped3A : memref<!tpu.dma_semaphore, #tpu.memory_space<semaphore_mem>>)
      %dma_wait3A = arith.constant 0 : i32
      %dma_wait3A_24 = arith.constant 0 : i32
      %dma_wait3A_25 = tpu.memref_slice %arg2[%arg0, %arg1, %dma_wait3A, %dma_wait3A_24] : memref<2x16x250x80xi32, #tpu.memory_space<hbm>> -> memref<1x1x250x80xi32, #tpu.memory_space<hbm>>
      %dma_wait3A_26 = tpu.memref_squeeze %dma_wait3A_25 : memref<1x1x250x80xi32, #tpu.memory_space<hbm>> -> memref<250x80xi32, #tpu.memory_space<hbm>>
      %dma_wait3A_27 = arith.constant 0 : i32
      %dma_wait3A_28 = arith.constant 0 : i32
      %dma_wait3A_29 = tpu.memref_slice %arg2[%arg0, %arg1, %dma_wait3A_27, %dma_wait3A_28] : memref<2x16x250x80xi32, #tpu.memory_space<hbm>> -> memref<1x1x250x80xi32, #tpu.memory_space<hbm>>
      %dma_wait3A_30 = tpu.memref_squeeze %dma_wait3A_29 : memref<1x1x250x80xi32, #tpu.memory_space<hbm>> -> memref<250x80xi32, #tpu.memory_space<hbm>>
      tpu.wait_dma2 semaphore(%run_scoped3A : memref<!tpu.dma_semaphore, #tpu.memory_space<semaphore_mem>>) src(%dma_wait3A_30 : memref<250x80xi32, #tpu.memory_space<hbm>>) dst(%arg6 : memref<250x80xi32, #tpu.memory_space<vmem>>)
      tpu.yield
    }) : () -> ()
    "tpu.region"() ({
      %run_scoped3A = tpu.sem_alloc : memref<!tpu.dma_semaphore, #tpu.memory_space<semaphore_mem>>
      tpu.enqueue_dma source(%arg3 : memref<80x128xf32, #tpu.memory_space<hbm>>) target(%arg7 : memref<80x128xf32, #tpu.memory_space<vmem>>) target_semaphore(%run_scoped3A : memref<!tpu.dma_semaphore, #tpu.memory_space<semaphore_mem>>)
      tpu.wait_dma2 semaphore(%run_scoped3A : memref<!tpu.dma_semaphore, #tpu.memory_space<semaphore_mem>>) src(%arg3 : memref<80x128xf32, #tpu.memory_space<hbm>>) dst(%arg7 : memref<80x128xf32, #tpu.memory_space<vmem>>)
      tpu.yield
    }) : () -> ()
    %mul3A = arith.constant 640 : i32
    %mul3A_0 = arith.muli %arg1, %mul3A : i32
    "tpu.region"() ({
      %run_scoped3A = tpu.sem_alloc : memref<!tpu.dma_semaphore, #tpu.memory_space<semaphore_mem>>
      %dma_start3A = arith.constant 0 : i32
      %dma_start3A_17 = tpu.memref_slice %arg8[%mul3A_0, %dma_start3A] : memref<10240x128xf32, #tpu.memory_space<vmem_shared>> -> memref<640x128xf32, #tpu.memory_space<vmem_shared>>
      tpu.enqueue_dma source(%arg4 : memref<640x128xf32, #tpu.memory_space<hbm>>) target(%dma_start3A_17 : memref<640x128xf32, #tpu.memory_space<vmem_shared>>) target_semaphore(%run_scoped3A : memref<!tpu.dma_semaphore, #tpu.memory_space<semaphore_mem>>)
      %dma_wait3A = arith.constant 0 : i32
      %dma_wait3A_18 = tpu.memref_slice %arg8[%mul3A_0, %dma_wait3A] : memref<10240x128xf32, #tpu.memory_space<vmem_shared>> -> memref<640x128xf32, #tpu.memory_space<vmem_shared>>
      tpu.wait_dma2 semaphore(%run_scoped3A : memref<!tpu.dma_semaphore, #tpu.memory_space<semaphore_mem>>) src(%arg4 : memref<640x128xf32, #tpu.memory_space<hbm>>) dst(%dma_wait3A_18 : memref<640x128xf32, #tpu.memory_space<vmem_shared>>)
      tpu.yield
    }) : () -> ()
    %barrier3A = arith.constant 0 : index
    tpu.barrier barrier_id(%barrier3A)
    %scan3A = arith.constant 0 : i32
    %scan3A_1 = arith.constant 0 : i32
    %scan3A_2 = arith.constant 250 : i32
    %scan3A_3 = arith.addi %scan3A_1, %scan3A_2 : i32
    %scan3A_4 = arith.constant 1 : i32
    scf.for %scan3A_17 = %scan3A_1 to %scan3A_3 step %scan3A_4  : i32 {
      %dma_start3A = arith.constant 0 : i32
      %dma_start3A_18 = tpu.memref_slice %arg6[%scan3A_17, %dma_start3A] : memref<250x80xi32, #tpu.memory_space<vmem>> -> memref<1x80xi32, #tpu.memory_space<vmem>>
      %dma_start3A_19 = tpu.memref_squeeze %dma_start3A_18 : memref<1x80xi32, #tpu.memory_space<vmem>> -> memref<80xi32, #tpu.memory_space<vmem>>
      %dma_start3A_20 = arith.constant 0 : i32
      %dma_start3A_21 = arith.constant 0 : i32
      %dma_start3A_22 = tpu.memref_slice %arg8[%dma_start3A_20, %dma_start3A_21] : memref<10240x128xf32, #tpu.memory_space<vmem_shared>> -> memref<10240x128xf32, #tpu.memory_space<vmem_shared>>
      tpu.enqueue_indirect_dma source(%arg7 : memref<80x128xf32, #tpu.memory_space<vmem>>) target(%dma_start3A_22 : memref<10240x128xf32, #tpu.memory_space<vmem_shared>>) offsets(%dma_start3A_19 : memref<80xi32, #tpu.memory_space<vmem>>) semaphore(%arg9 : memref<!tpu.dma_semaphore, #tpu.memory_space<semaphore_mem>>) {add = true}
      %ge3A = arith.constant 8 : i32
      %ge3A_23 = arith.cmpi sge, %scan3A_17, %ge3A : i32
      %convert_element_type3A = arith.extui %ge3A_23 : i1 to i32
      %cond3A = arith.constant 0 : i32
      %cond3A_24 = arith.cmpi ne, %convert_element_type3A, %cond3A : i32
      scf.if %cond3A_24 {
        %dma_wait3A = arith.constant 0 : i32
        %dma_wait3A_25 = arith.constant 0 : i32
        %dma_wait3A_26 = tpu.memref_slice %arg4[%dma_wait3A, %dma_wait3A_25] : memref<640x128xf32, #tpu.memory_space<hbm>> -> memref<80x128xf32, #tpu.memory_space<hbm>>
        %dma_wait3A_27 = arith.constant 0 : i32
        %dma_wait3A_28 = arith.constant 0 : i32
        %dma_wait3A_29 = tpu.memref_slice %arg4[%dma_wait3A_27, %dma_wait3A_28] : memref<640x128xf32, #tpu.memory_space<hbm>> -> memref<80x128xf32, #tpu.memory_space<hbm>>
        tpu.wait_dma2 semaphore(%arg9 : memref<!tpu.dma_semaphore, #tpu.memory_space<semaphore_mem>>) src(%dma_wait3A_29 : memref<80x128xf32, #tpu.memory_space<hbm>>) dst(%arg7 : memref<80x128xf32, #tpu.memory_space<vmem>>)
      } else {
      }
    }
    %scan3A_5 = arith.constant 250 : i32
    %scan3A_6 = arith.constant 0 : i32
    %scan3A_7 = arith.constant 0 : i32
    %scan3A_8 = arith.constant 8 : i32
    %scan3A_9 = arith.addi %scan3A_7, %scan3A_8 : i32
    %scan3A_10 = arith.constant 1 : i32
    scf.for %scan3A_17 = %scan3A_7 to %scan3A_9 step %scan3A_10  : i32 {
      %dma_wait3A = arith.constant 0 : i32
      %dma_wait3A_18 = arith.constant 0 : i32
      %dma_wait3A_19 = tpu.memref_slice %arg4[%dma_wait3A, %dma_wait3A_18] : memref<640x128xf32, #tpu.memory_space<hbm>> -> memref<80x128xf32, #tpu.memory_space<hbm>>
      %dma_wait3A_20 = arith.constant 0 : i32
      %dma_wait3A_21 = arith.constant 0 : i32
      %dma_wait3A_22 = tpu.memref_slice %arg4[%dma_wait3A_20, %dma_wait3A_21] : memref<640x128xf32, #tpu.memory_space<hbm>> -> memref<80x128xf32, #tpu.memory_space<hbm>>
      tpu.wait_dma2 semaphore(%arg9 : memref<!tpu.dma_semaphore, #tpu.memory_space<semaphore_mem>>) src(%dma_wait3A_22 : memref<80x128xf32, #tpu.memory_space<hbm>>) dst(%arg7 : memref<80x128xf32, #tpu.memory_space<vmem>>)
    }
    %scan3A_11 = arith.constant 8 : i32
    %barrier3A_12 = arith.constant 0 : index
    tpu.barrier barrier_id(%barrier3A_12)
    %mul3A_13 = arith.constant 640 : i32
    %mul3A_14 = arith.muli %arg1, %mul3A_13 : i32
    %mul3A_15 = arith.constant 640 : i32
    %mul3A_16 = arith.muli %arg1, %mul3A_15 : i32
    "tpu.region"() ({
      %run_scoped3A = tpu.sem_alloc : memref<!tpu.dma_semaphore, #tpu.memory_space<semaphore_mem>>
      %dma_start3A = arith.constant 0 : i32
      %dma_start3A_17 = tpu.memref_slice %arg5[%arg0, %mul3A_16, %dma_start3A] : memref<2x10240x128xf32, #tpu.memory_space<hbm>> -> memref<1x640x128xf32, #tpu.memory_space<hbm>>
      %dma_start3A_18 = tpu.memref_squeeze %dma_start3A_17 : memref<1x640x128xf32, #tpu.memory_space<hbm>> -> memref<640x128xf32, #tpu.memory_space<hbm>>
      %dma_start3A_19 = arith.constant 0 : i32
      %dma_start3A_20 = tpu.memref_slice %arg8[%mul3A_14, %dma_start3A_19] : memref<10240x128xf32, #tpu.memory_space<vmem_shared>> -> memref<640x128xf32, #tpu.memory_space<vmem_shared>>
      tpu.enqueue_dma source(%dma_start3A_20 : memref<640x128xf32, #tpu.memory_space<vmem_shared>>) target(%dma_start3A_18 : memref<640x128xf32, #tpu.memory_space<hbm>>) target_semaphore(%run_scoped3A : memref<!tpu.dma_semaphore, #tpu.memory_space<semaphore_mem>>)
      %dma_wait3A = arith.constant 0 : i32
      %dma_wait3A_21 = tpu.memref_slice %arg5[%arg0, %mul3A_16, %dma_wait3A] : memref<2x10240x128xf32, #tpu.memory_space<hbm>> -> memref<1x640x128xf32, #tpu.memory_space<hbm>>
      %dma_wait3A_22 = tpu.memref_squeeze %dma_wait3A_21 : memref<1x640x128xf32, #tpu.memory_space<hbm>> -> memref<640x128xf32, #tpu.memory_space<hbm>>
      %dma_wait3A_23 = arith.constant 0 : i32
      %dma_wait3A_24 = tpu.memref_slice %arg8[%mul3A_14, %dma_wait3A_23] : memref<10240x128xf32, #tpu.memory_space<vmem_shared>> -> memref<640x128xf32, #tpu.memory_space<vmem_shared>>
      tpu.wait_dma2 semaphore(%run_scoped3A : memref<!tpu.dma_semaphore, #tpu.memory_space<semaphore_mem>>) src(%dma_wait3A_24 : memref<640x128xf32, #tpu.memory_space<vmem_shared>>) dst(%dma_wait3A_22 : memref<640x128xf32, #tpu.memory_space<hbm>>)
      tpu.yield
    }) : () -> ()
    return
  }
}

#map = affine_map<(d0, d1) -> (0, 0)>
#map1 = affine_map<(d0, d1) -> (0)>
#map2 = affine_map<(d0, d1) -> (0, 0, 0)>
module attributes {stable_mosaic.version = 14 : i64} {
  func.func @_agg_kernel(%arg0: i32, %arg1: i32, %arg2: memref<10240x128xf32, #tpu.memory_space<hbm>>, %arg3: memref<320000xi32, #tpu.memory_space<hbm>>, %arg4: memref<32x125x80xi32, #tpu.memory_space<hbm>>, %arg5: memref<640x128xf32, #tpu.memory_space<hbm>>, %arg6: memref<2x10240x128xf32, #tpu.memory_space<hbm>>, %arg7: memref<10000xi32, #tpu.memory_space<vmem>>, %arg8: memref<125x80xi32, #tpu.memory_space<vmem>>, %arg9: memref<80x128xf32, #tpu.memory_space<vmem>>, %arg10: memref<80x128xf32, #tpu.memory_space<vmem>>, %arg11: memref<10240x128xf32, #tpu.memory_space<vmem_shared>>, %arg12: memref<!tpu.dma_semaphore, #tpu.memory_space<semaphore_mem>>, %arg13: memref<!tpu.dma_semaphore, #tpu.memory_space<semaphore_mem>>) attributes {dimension_semantics = [#tpu.dimension_semantics<core_parallel>, #tpu.dimension_semantics<subcore_parallel>], iteration_bounds = array<i64: 2, 16>, scalar_prefetch = 0 : i64, scratch_operands = 7 : i64, tpu.core_type = #tpu.core_type<sc_vector_subcore>, window_params = [{transform_indices = #map}, {transform_indices = #map1}, {transform_indices = #map2}, {transform_indices = #map}, {transform_indices = #map2}]} {
    %mul3A = arith.constant 16 : i32
    %mul3A_0 = arith.muli %arg0, %mul3A : i32
    %add3A = arith.addi %mul3A_0, %arg1 : i32
    %mul3A_1 = arith.constant 10000 : i32
    %mul3A_2 = arith.muli %add3A, %mul3A_1 : i32
    "tpu.region"() ({
      %run_scoped3A = tpu.sem_alloc : memref<!tpu.dma_semaphore, #tpu.memory_space<semaphore_mem>>
      %dma_start3A_49 = tpu.memref_slice %arg3[%mul3A_2] : memref<320000xi32, #tpu.memory_space<hbm>> -> memref<10000xi32, #tpu.memory_space<hbm>>
      %dma_start3A_50 = tpu.memref_slice %arg3[%mul3A_2] : memref<320000xi32, #tpu.memory_space<hbm>> -> memref<10000xi32, #tpu.memory_space<hbm>>
      tpu.enqueue_dma source(%dma_start3A_50 : memref<10000xi32, #tpu.memory_space<hbm>>) target(%arg7 : memref<10000xi32, #tpu.memory_space<vmem>>) target_semaphore(%run_scoped3A : memref<!tpu.dma_semaphore, #tpu.memory_space<semaphore_mem>>)
      %dma_wait3A = tpu.memref_slice %arg3[%mul3A_2] : memref<320000xi32, #tpu.memory_space<hbm>> -> memref<10000xi32, #tpu.memory_space<hbm>>
      %dma_wait3A_51 = tpu.memref_slice %arg3[%mul3A_2] : memref<320000xi32, #tpu.memory_space<hbm>> -> memref<10000xi32, #tpu.memory_space<hbm>>
      tpu.wait_dma2 semaphore(%run_scoped3A : memref<!tpu.dma_semaphore, #tpu.memory_space<semaphore_mem>>) src(%dma_wait3A_51 : memref<10000xi32, #tpu.memory_space<hbm>>) dst(%arg7 : memref<10000xi32, #tpu.memory_space<vmem>>)
      tpu.yield
    }) : () -> ()
    "tpu.region"() ({
      %run_scoped3A = tpu.sem_alloc : memref<!tpu.dma_semaphore, #tpu.memory_space<semaphore_mem>>
      %dma_start3A_49 = arith.constant 0 : i32
      %dma_start3A_50 = arith.constant 0 : i32
      %dma_start3A_51 = tpu.memref_slice %arg4[%add3A, %dma_start3A_49, %dma_start3A_50] : memref<32x125x80xi32, #tpu.memory_space<hbm>> -> memref<1x125x80xi32, #tpu.memory_space<hbm>>
      %dma_start3A_52 = tpu.memref_squeeze %dma_start3A_51 : memref<1x125x80xi32, #tpu.memory_space<hbm>> -> memref<125x80xi32, #tpu.memory_space<hbm>>
      %dma_start3A_53 = arith.constant 0 : i32
      %dma_start3A_54 = arith.constant 0 : i32
      %dma_start3A_55 = tpu.memref_slice %arg4[%add3A, %dma_start3A_53, %dma_start3A_54] : memref<32x125x80xi32, #tpu.memory_space<hbm>> -> memref<1x125x80xi32, #tpu.memory_space<hbm>>
      %dma_start3A_56 = tpu.memref_squeeze %dma_start3A_55 : memref<1x125x80xi32, #tpu.memory_space<hbm>> -> memref<125x80xi32, #tpu.memory_space<hbm>>
      tpu.enqueue_dma source(%dma_start3A_56 : memref<125x80xi32, #tpu.memory_space<hbm>>) target(%arg8 : memref<125x80xi32, #tpu.memory_space<vmem>>) target_semaphore(%run_scoped3A : memref<!tpu.dma_semaphore, #tpu.memory_space<semaphore_mem>>)
      %dma_wait3A = arith.constant 0 : i32
      %dma_wait3A_57 = arith.constant 0 : i32
      %dma_wait3A_58 = tpu.memref_slice %arg4[%add3A, %dma_wait3A, %dma_wait3A_57] : memref<32x125x80xi32, #tpu.memory_space<hbm>> -> memref<1x125x80xi32, #tpu.memory_space<hbm>>
      %dma_wait3A_59 = tpu.memref_squeeze %dma_wait3A_58 : memref<1x125x80xi32, #tpu.memory_space<hbm>> -> memref<125x80xi32, #tpu.memory_space<hbm>>
      %dma_wait3A_60 = arith.constant 0 : i32
      %dma_wait3A_61 = arith.constant 0 : i32
      %dma_wait3A_62 = tpu.memref_slice %arg4[%add3A, %dma_wait3A_60, %dma_wait3A_61] : memref<32x125x80xi32, #tpu.memory_space<hbm>> -> memref<1x125x80xi32, #tpu.memory_space<hbm>>
      %dma_wait3A_63 = tpu.memref_squeeze %dma_wait3A_62 : memref<1x125x80xi32, #tpu.memory_space<hbm>> -> memref<125x80xi32, #tpu.memory_space<hbm>>
      tpu.wait_dma2 semaphore(%run_scoped3A : memref<!tpu.dma_semaphore, #tpu.memory_space<semaphore_mem>>) src(%dma_wait3A_63 : memref<125x80xi32, #tpu.memory_space<hbm>>) dst(%arg8 : memref<125x80xi32, #tpu.memory_space<vmem>>)
      tpu.yield
    }) : () -> ()
    "tpu.region"() ({
      %run_scoped3A = tpu.sem_alloc : memref<!tpu.dma_semaphore, #tpu.memory_space<semaphore_mem>>
      %dma_start3A_49 = arith.constant 0 : i32
      %dma_start3A_50 = arith.constant 0 : i32
      %dma_start3A_51 = tpu.memref_slice %arg5[%dma_start3A_49, %dma_start3A_50] : memref<640x128xf32, #tpu.memory_space<hbm>> -> memref<80x128xf32, #tpu.memory_space<hbm>>
      %dma_start3A_52 = arith.constant 0 : i32
      %dma_start3A_53 = arith.constant 0 : i32
      %dma_start3A_54 = tpu.memref_slice %arg5[%dma_start3A_52, %dma_start3A_53] : memref<640x128xf32, #tpu.memory_space<hbm>> -> memref<80x128xf32, #tpu.memory_space<hbm>>
      tpu.enqueue_dma source(%dma_start3A_54 : memref<80x128xf32, #tpu.memory_space<hbm>>) target(%arg9 : memref<80x128xf32, #tpu.memory_space<vmem>>) target_semaphore(%run_scoped3A : memref<!tpu.dma_semaphore, #tpu.memory_space<semaphore_mem>>)
      %dma_wait3A = arith.constant 0 : i32
      %dma_wait3A_55 = arith.constant 0 : i32
      %dma_wait3A_56 = tpu.memref_slice %arg5[%dma_wait3A, %dma_wait3A_55] : memref<640x128xf32, #tpu.memory_space<hbm>> -> memref<80x128xf32, #tpu.memory_space<hbm>>
      %dma_wait3A_57 = arith.constant 0 : i32
      %dma_wait3A_58 = arith.constant 0 : i32
      %dma_wait3A_59 = tpu.memref_slice %arg5[%dma_wait3A_57, %dma_wait3A_58] : memref<640x128xf32, #tpu.memory_space<hbm>> -> memref<80x128xf32, #tpu.memory_space<hbm>>
      tpu.wait_dma2 semaphore(%run_scoped3A : memref<!tpu.dma_semaphore, #tpu.memory_space<semaphore_mem>>) src(%dma_wait3A_59 : memref<80x128xf32, #tpu.memory_space<hbm>>) dst(%arg9 : memref<80x128xf32, #tpu.memory_space<vmem>>)
      tpu.yield
    }) : () -> ()
    %mul3A_3 = arith.constant 640 : i32
    %mul3A_4 = arith.muli %arg1, %mul3A_3 : i32
    %add3A_5 = arith.constant 0 : i32
    %add3A_6 = arith.addi %mul3A_4, %add3A_5 : i32
    "tpu.region"() ({
      %run_scoped3A = tpu.sem_alloc : memref<!tpu.dma_semaphore, #tpu.memory_space<semaphore_mem>>
      %dma_start3A_49 = arith.constant 0 : i32
      %dma_start3A_50 = tpu.memref_slice %arg11[%add3A_6, %dma_start3A_49] : memref<10240x128xf32, #tpu.memory_space<vmem_shared>> -> memref<80x128xf32, #tpu.memory_space<vmem_shared>>
      %dma_start3A_51 = arith.constant 0 : i32
      %dma_start3A_52 = tpu.memref_slice %arg11[%add3A_6, %dma_start3A_51] : memref<10240x128xf32, #tpu.memory_space<vmem_shared>> -> memref<80x128xf32, #tpu.memory_space<vmem_shared>>
      tpu.enqueue_dma source(%arg9 : memref<80x128xf32, #tpu.memory_space<vmem>>) target(%dma_start3A_52 : memref<80x128xf32, #tpu.memory_space<vmem_shared>>) target_semaphore(%run_scoped3A : memref<!tpu.dma_semaphore, #tpu.memory_space<semaphore_mem>>)
      %dma_wait3A = arith.constant 0 : i32
      %dma_wait3A_53 = tpu.memref_slice %arg11[%add3A_6, %dma_wait3A] : memref<10240x128xf32, #tpu.memory_space<vmem_shared>> -> memref<80x128xf32, #tpu.memory_space<vmem_shared>>
      %dma_wait3A_54 = arith.constant 0 : i32
      %dma_wait3A_55 = tpu.memref_slice %arg11[%add3A_6, %dma_wait3A_54] : memref<10240x128xf32, #tpu.memory_space<vmem_shared>> -> memref<80x128xf32, #tpu.memory_space<vmem_shared>>
      tpu.wait_dma2 semaphore(%run_scoped3A : memref<!tpu.dma_semaphore, #tpu.memory_space<semaphore_mem>>) src(%arg9 : memref<80x128xf32, #tpu.memory_space<vmem>>) dst(%dma_wait3A_55 : memref<80x128xf32, #tpu.memory_space<vmem_shared>>)
      tpu.yield
    }) : () -> ()
    %mul3A_7 = arith.constant 640 : i32
    %mul3A_8 = arith.muli %arg1, %mul3A_7 : i32
    %add3A_9 = arith.constant 80 : i32
    %add3A_10 = arith.addi %mul3A_8, %add3A_9 : i32
    "tpu.region"() ({
      %run_scoped3A = tpu.sem_alloc : memref<!tpu.dma_semaphore, #tpu.memory_space<semaphore_mem>>
      %dma_start3A_49 = arith.constant 0 : i32
      %dma_start3A_50 = tpu.memref_slice %arg11[%add3A_10, %dma_start3A_49] : memref<10240x128xf32, #tpu.memory_space<vmem_shared>> -> memref<80x128xf32, #tpu.memory_space<vmem_shared>>
      %dma_start3A_51 = arith.constant 0 : i32
      %dma_start3A_52 = tpu.memref_slice %arg11[%add3A_10, %dma_start3A_51] : memref<10240x128xf32, #tpu.memory_space<vmem_shared>> -> memref<80x128xf32, #tpu.memory_space<vmem_shared>>
      tpu.enqueue_dma source(%arg9 : memref<80x128xf32, #tpu.memory_space<vmem>>) target(%dma_start3A_52 : memref<80x128xf32, #tpu.memory_space<vmem_shared>>) target_semaphore(%run_scoped3A : memref<!tpu.dma_semaphore, #tpu.memory_space<semaphore_mem>>)
      %dma_wait3A = arith.constant 0 : i32
      %dma_wait3A_53 = tpu.memref_slice %arg11[%add3A_10, %dma_wait3A] : memref<10240x128xf32, #tpu.memory_space<vmem_shared>> -> memref<80x128xf32, #tpu.memory_space<vmem_shared>>
      %dma_wait3A_54 = arith.constant 0 : i32
      %dma_wait3A_55 = tpu.memref_slice %arg11[%add3A_10, %dma_wait3A_54] : memref<10240x128xf32, #tpu.memory_space<vmem_shared>> -> memref<80x128xf32, #tpu.memory_space<vmem_shared>>
      tpu.wait_dma2 semaphore(%run_scoped3A : memref<!tpu.dma_semaphore, #tpu.memory_space<semaphore_mem>>) src(%arg9 : memref<80x128xf32, #tpu.memory_space<vmem>>) dst(%dma_wait3A_55 : memref<80x128xf32, #tpu.memory_space<vmem_shared>>)
      tpu.yield
    }) : () -> ()
    %mul3A_11 = arith.constant 640 : i32
    %mul3A_12 = arith.muli %arg1, %mul3A_11 : i32
    %add3A_13 = arith.constant 160 : i32
    %add3A_14 = arith.addi %mul3A_12, %add3A_13 : i32
    "tpu.region"() ({
      %run_scoped3A = tpu.sem_alloc : memref<!tpu.dma_semaphore, #tpu.memory_space<semaphore_mem>>
      %dma_start3A_49 = arith.constant 0 : i32
      %dma_start3A_50 = tpu.memref_slice %arg11[%add3A_14, %dma_start3A_49] : memref<10240x128xf32, #tpu.memory_space<vmem_shared>> -> memref<80x128xf32, #tpu.memory_space<vmem_shared>>
      %dma_start3A_51 = arith.constant 0 : i32
      %dma_start3A_52 = tpu.memref_slice %arg11[%add3A_14, %dma_start3A_51] : memref<10240x128xf32, #tpu.memory_space<vmem_shared>> -> memref<80x128xf32, #tpu.memory_space<vmem_shared>>
      tpu.enqueue_dma source(%arg9 : memref<80x128xf32, #tpu.memory_space<vmem>>) target(%dma_start3A_52 : memref<80x128xf32, #tpu.memory_space<vmem_shared>>) target_semaphore(%run_scoped3A : memref<!tpu.dma_semaphore, #tpu.memory_space<semaphore_mem>>)
      %dma_wait3A = arith.constant 0 : i32
      %dma_wait3A_53 = tpu.memref_slice %arg11[%add3A_14, %dma_wait3A] : memref<10240x128xf32, #tpu.memory_space<vmem_shared>> -> memref<80x128xf32, #tpu.memory_space<vmem_shared>>
      %dma_wait3A_54 = arith.constant 0 : i32
      %dma_wait3A_55 = tpu.memref_slice %arg11[%add3A_14, %dma_wait3A_54] : memref<10240x128xf32, #tpu.memory_space<vmem_shared>> -> memref<80x128xf32, #tpu.memory_space<vmem_shared>>
      tpu.wait_dma2 semaphore(%run_scoped3A : memref<!tpu.dma_semaphore, #tpu.memory_space<semaphore_mem>>) src(%arg9 : memref<80x128xf32, #tpu.memory_space<vmem>>) dst(%dma_wait3A_55 : memref<80x128xf32, #tpu.memory_space<vmem_shared>>)
      tpu.yield
    }) : () -> ()
    %mul3A_15 = arith.constant 640 : i32
    %mul3A_16 = arith.muli %arg1, %mul3A_15 : i32
    %add3A_17 = arith.constant 240 : i32
    %add3A_18 = arith.addi %mul3A_16, %add3A_17 : i32
    "tpu.region"() ({
      %run_scoped3A = tpu.sem_alloc : memref<!tpu.dma_semaphore, #tpu.memory_space<semaphore_mem>>
      %dma_start3A_49 = arith.constant 0 : i32
      %dma_start3A_50 = tpu.memref_slice %arg11[%add3A_18, %dma_start3A_49] : memref<10240x128xf32, #tpu.memory_space<vmem_shared>> -> memref<80x128xf32, #tpu.memory_space<vmem_shared>>
      %dma_start3A_51 = arith.constant 0 : i32
      %dma_start3A_52 = tpu.memref_slice %arg11[%add3A_18, %dma_start3A_51] : memref<10240x128xf32, #tpu.memory_space<vmem_shared>> -> memref<80x128xf32, #tpu.memory_space<vmem_shared>>
      tpu.enqueue_dma source(%arg9 : memref<80x128xf32, #tpu.memory_space<vmem>>) target(%dma_start3A_52 : memref<80x128xf32, #tpu.memory_space<vmem_shared>>) target_semaphore(%run_scoped3A : memref<!tpu.dma_semaphore, #tpu.memory_space<semaphore_mem>>)
      %dma_wait3A = arith.constant 0 : i32
      %dma_wait3A_53 = tpu.memref_slice %arg11[%add3A_18, %dma_wait3A] : memref<10240x128xf32, #tpu.memory_space<vmem_shared>> -> memref<80x128xf32, #tpu.memory_space<vmem_shared>>
      %dma_wait3A_54 = arith.constant 0 : i32
      %dma_wait3A_55 = tpu.memref_slice %arg11[%add3A_18, %dma_wait3A_54] : memref<10240x128xf32, #tpu.memory_space<vmem_shared>> -> memref<80x128xf32, #tpu.memory_space<vmem_shared>>
      tpu.wait_dma2 semaphore(%run_scoped3A : memref<!tpu.dma_semaphore, #tpu.memory_space<semaphore_mem>>) src(%arg9 : memref<80x128xf32, #tpu.memory_space<vmem>>) dst(%dma_wait3A_55 : memref<80x128xf32, #tpu.memory_space<vmem_shared>>)
      tpu.yield
    }) : () -> ()
    %mul3A_19 = arith.constant 640 : i32
    %mul3A_20 = arith.muli %arg1, %mul3A_19 : i32
    %add3A_21 = arith.constant 320 : i32
    %add3A_22 = arith.addi %mul3A_20, %add3A_21 : i32
    "tpu.region"() ({
      %run_scoped3A = tpu.sem_alloc : memref<!tpu.dma_semaphore, #tpu.memory_space<semaphore_mem>>
      %dma_start3A_49 = arith.constant 0 : i32
      %dma_start3A_50 = tpu.memref_slice %arg11[%add3A_22, %dma_start3A_49] : memref<10240x128xf32, #tpu.memory_space<vmem_shared>> -> memref<80x128xf32, #tpu.memory_space<vmem_shared>>
      %dma_start3A_51 = arith.constant 0 : i32
      %dma_start3A_52 = tpu.memref_slice %arg11[%add3A_22, %dma_start3A_51] : memref<10240x128xf32, #tpu.memory_space<vmem_shared>> -> memref<80x128xf32, #tpu.memory_space<vmem_shared>>
      tpu.enqueue_dma source(%arg9 : memref<80x128xf32, #tpu.memory_space<vmem>>) target(%dma_start3A_52 : memref<80x128xf32, #tpu.memory_space<vmem_shared>>) target_semaphore(%run_scoped3A : memref<!tpu.dma_semaphore, #tpu.memory_space<semaphore_mem>>)
      %dma_wait3A = arith.constant 0 : i32
      %dma_wait3A_53 = tpu.memref_slice %arg11[%add3A_22, %dma_wait3A] : memref<10240x128xf32, #tpu.memory_space<vmem_shared>> -> memref<80x128xf32, #tpu.memory_space<vmem_shared>>
      %dma_wait3A_54 = arith.constant 0 : i32
      %dma_wait3A_55 = tpu.memref_slice %arg11[%add3A_22, %dma_wait3A_54] : memref<10240x128xf32, #tpu.memory_space<vmem_shared>> -> memref<80x128xf32, #tpu.memory_space<vmem_shared>>
      tpu.wait_dma2 semaphore(%run_scoped3A : memref<!tpu.dma_semaphore, #tpu.memory_space<semaphore_mem>>) src(%arg9 : memref<80x128xf32, #tpu.memory_space<vmem>>) dst(%dma_wait3A_55 : memref<80x128xf32, #tpu.memory_space<vmem_shared>>)
      tpu.yield
    }) : () -> ()
    %mul3A_23 = arith.constant 640 : i32
    %mul3A_24 = arith.muli %arg1, %mul3A_23 : i32
    %add3A_25 = arith.constant 400 : i32
    %add3A_26 = arith.addi %mul3A_24, %add3A_25 : i32
    "tpu.region"() ({
      %run_scoped3A = tpu.sem_alloc : memref<!tpu.dma_semaphore, #tpu.memory_space<semaphore_mem>>
      %dma_start3A_49 = arith.constant 0 : i32
      %dma_start3A_50 = tpu.memref_slice %arg11[%add3A_26, %dma_start3A_49] : memref<10240x128xf32, #tpu.memory_space<vmem_shared>> -> memref<80x128xf32, #tpu.memory_space<vmem_shared>>
      %dma_start3A_51 = arith.constant 0 : i32
      %dma_start3A_52 = tpu.memref_slice %arg11[%add3A_26, %dma_start3A_51] : memref<10240x128xf32, #tpu.memory_space<vmem_shared>> -> memref<80x128xf32, #tpu.memory_space<vmem_shared>>
      tpu.enqueue_dma source(%arg9 : memref<80x128xf32, #tpu.memory_space<vmem>>) target(%dma_start3A_52 : memref<80x128xf32, #tpu.memory_space<vmem_shared>>) target_semaphore(%run_scoped3A : memref<!tpu.dma_semaphore, #tpu.memory_space<semaphore_mem>>)
      %dma_wait3A = arith.constant 0 : i32
      %dma_wait3A_53 = tpu.memref_slice %arg11[%add3A_26, %dma_wait3A] : memref<10240x128xf32, #tpu.memory_space<vmem_shared>> -> memref<80x128xf32, #tpu.memory_space<vmem_shared>>
      %dma_wait3A_54 = arith.constant 0 : i32
      %dma_wait3A_55 = tpu.memref_slice %arg11[%add3A_26, %dma_wait3A_54] : memref<10240x128xf32, #tpu.memory_space<vmem_shared>> -> memref<80x128xf32, #tpu.memory_space<vmem_shared>>
      tpu.wait_dma2 semaphore(%run_scoped3A : memref<!tpu.dma_semaphore, #tpu.memory_space<semaphore_mem>>) src(%arg9 : memref<80x128xf32, #tpu.memory_space<vmem>>) dst(%dma_wait3A_55 : memref<80x128xf32, #tpu.memory_space<vmem_shared>>)
      tpu.yield
    }) : () -> ()
    %mul3A_27 = arith.constant 640 : i32
    %mul3A_28 = arith.muli %arg1, %mul3A_27 : i32
    %add3A_29 = arith.constant 480 : i32
    %add3A_30 = arith.addi %mul3A_28, %add3A_29 : i32
    "tpu.region"() ({
      %run_scoped3A = tpu.sem_alloc : memref<!tpu.dma_semaphore, #tpu.memory_space<semaphore_mem>>
      %dma_start3A_49 = arith.constant 0 : i32
      %dma_start3A_50 = tpu.memref_slice %arg11[%add3A_30, %dma_start3A_49] : memref<10240x128xf32, #tpu.memory_space<vmem_shared>> -> memref<80x128xf32, #tpu.memory_space<vmem_shared>>
      %dma_start3A_51 = arith.constant 0 : i32
      %dma_start3A_52 = tpu.memref_slice %arg11[%add3A_30, %dma_start3A_51] : memref<10240x128xf32, #tpu.memory_space<vmem_shared>> -> memref<80x128xf32, #tpu.memory_space<vmem_shared>>
      tpu.enqueue_dma source(%arg9 : memref<80x128xf32, #tpu.memory_space<vmem>>) target(%dma_start3A_52 : memref<80x128xf32, #tpu.memory_space<vmem_shared>>) target_semaphore(%run_scoped3A : memref<!tpu.dma_semaphore, #tpu.memory_space<semaphore_mem>>)
      %dma_wait3A = arith.constant 0 : i32
      %dma_wait3A_53 = tpu.memref_slice %arg11[%add3A_30, %dma_wait3A] : memref<10240x128xf32, #tpu.memory_space<vmem_shared>> -> memref<80x128xf32, #tpu.memory_space<vmem_shared>>
      %dma_wait3A_54 = arith.constant 0 : i32
      %dma_wait3A_55 = tpu.memref_slice %arg11[%add3A_30, %dma_wait3A_54] : memref<10240x128xf32, #tpu.memory_space<vmem_shared>> -> memref<80x128xf32, #tpu.memory_space<vmem_shared>>
      tpu.wait_dma2 semaphore(%run_scoped3A : memref<!tpu.dma_semaphore, #tpu.memory_space<semaphore_mem>>) src(%arg9 : memref<80x128xf32, #tpu.memory_space<vmem>>) dst(%dma_wait3A_55 : memref<80x128xf32, #tpu.memory_space<vmem_shared>>)
      tpu.yield
    }) : () -> ()
    %mul3A_31 = arith.constant 640 : i32
    %mul3A_32 = arith.muli %arg1, %mul3A_31 : i32
    %add3A_33 = arith.constant 560 : i32
    %add3A_34 = arith.addi %mul3A_32, %add3A_33 : i32
    "tpu.region"() ({
      %run_scoped3A = tpu.sem_alloc : memref<!tpu.dma_semaphore, #tpu.memory_space<semaphore_mem>>
      %dma_start3A_49 = arith.constant 0 : i32
      %dma_start3A_50 = tpu.memref_slice %arg11[%add3A_34, %dma_start3A_49] : memref<10240x128xf32, #tpu.memory_space<vmem_shared>> -> memref<80x128xf32, #tpu.memory_space<vmem_shared>>
      %dma_start3A_51 = arith.constant 0 : i32
      %dma_start3A_52 = tpu.memref_slice %arg11[%add3A_34, %dma_start3A_51] : memref<10240x128xf32, #tpu.memory_space<vmem_shared>> -> memref<80x128xf32, #tpu.memory_space<vmem_shared>>
      tpu.enqueue_dma source(%arg9 : memref<80x128xf32, #tpu.memory_space<vmem>>) target(%dma_start3A_52 : memref<80x128xf32, #tpu.memory_space<vmem_shared>>) target_semaphore(%run_scoped3A : memref<!tpu.dma_semaphore, #tpu.memory_space<semaphore_mem>>)
      %dma_wait3A = arith.constant 0 : i32
      %dma_wait3A_53 = tpu.memref_slice %arg11[%add3A_34, %dma_wait3A] : memref<10240x128xf32, #tpu.memory_space<vmem_shared>> -> memref<80x128xf32, #tpu.memory_space<vmem_shared>>
      %dma_wait3A_54 = arith.constant 0 : i32
      %dma_wait3A_55 = tpu.memref_slice %arg11[%add3A_34, %dma_wait3A_54] : memref<10240x128xf32, #tpu.memory_space<vmem_shared>> -> memref<80x128xf32, #tpu.memory_space<vmem_shared>>
      tpu.wait_dma2 semaphore(%run_scoped3A : memref<!tpu.dma_semaphore, #tpu.memory_space<semaphore_mem>>) src(%arg9 : memref<80x128xf32, #tpu.memory_space<vmem>>) dst(%dma_wait3A_55 : memref<80x128xf32, #tpu.memory_space<vmem_shared>>)
      tpu.yield
    }) : () -> ()
    %barrier3A = arith.constant 0 : index
    tpu.barrier barrier_id(%barrier3A)
    %dma_start3A = arith.constant 0 : i32
    %dma_start3A_35 = tpu.memref_slice %arg7[%dma_start3A] : memref<10000xi32, #tpu.memory_space<vmem>> -> memref<80xi32, #tpu.memory_space<vmem>>
    %dma_start3A_36 = arith.constant 0 : i32
    %dma_start3A_37 = arith.constant 0 : i32
    %dma_start3A_38 = tpu.memref_slice %arg2[%dma_start3A_36, %dma_start3A_37] : memref<10240x128xf32, #tpu.memory_space<hbm>> -> memref<10240x128xf32, #tpu.memory_space<hbm>>
    tpu.enqueue_indirect_dma source(%dma_start3A_38 : memref<10240x128xf32, #tpu.memory_space<hbm>>) target(%arg9 : memref<80x128xf32, #tpu.memory_space<vmem>>) offsets(%dma_start3A_35 : memref<80xi32, #tpu.memory_space<vmem>>) semaphore(%arg12 : memref<!tpu.dma_semaphore, #tpu.memory_space<semaphore_mem>>)
    %scan3A = arith.constant 0 : i32
    %scan3A_39 = arith.constant 0 : i32
    %scan3A_40 = arith.constant 125 : i32
    %scan3A_41 = arith.addi %scan3A_39, %scan3A_40 : i32
    %scan3A_42 = arith.constant 1 : i32
    scf.for %scan3A_49 = %scan3A_39 to %scan3A_41 step %scan3A_42  : i32 {
      %jit3A = arith.constant 2 : i32
      %eq3A = arith.constant 0 : i32
      %eq3A_50 = arith.cmpi eq, %jit3A, %eq3A : i32
      %jit3A_51 = arith.constant 1 : i32
      %select_n3A = arith.select %eq3A_50, %jit3A_51, %jit3A : i32
      %rem3A = arith.remsi %scan3A_49, %select_n3A : i32
      %ne3A = arith.constant 0 : i32
      %ne3A_52 = arith.cmpi ne, %rem3A, %ne3A : i32
      %lt3A = arith.constant 0 : i32
      %lt3A_53 = arith.cmpi slt, %rem3A, %lt3A : i32
      %lt3A_54 = arith.constant 0 : i32
      %lt3A_55 = arith.cmpi slt, %select_n3A, %lt3A_54 : i32
      %ne3A_56 = arith.xori %lt3A_53, %lt3A_55 : i1
      %and3A = arith.andi %ne3A_56, %ne3A_52 : i1
      %add3A_57 = arith.addi %rem3A, %select_n3A : i32
      %select_n3A_58 = arith.select %and3A, %add3A_57, %rem3A : i32
      %eq3A_59 = arith.constant 0 : i32
      %eq3A_60 = arith.cmpi eq, %select_n3A_58, %eq3A_59 : i32
      %convert_element_type3A = arith.extui %eq3A_60 : i1 to i32
      %cond3A = arith.constant 0 : i32
      %cond3A_61 = arith.cmpi ne, %convert_element_type3A, %cond3A : i32
      scf.if %cond3A_61 {
        %add3A_83 = arith.constant 1 : i32
        %add3A_84 = arith.addi %scan3A_49, %add3A_83 : i32
        %lt3A_85 = arith.constant 125 : i32
        %lt3A_86 = arith.cmpi slt, %add3A_84, %lt3A_85 : i32
        %convert_element_type3A_87 = arith.extui %lt3A_86 : i1 to i32
        %cond3A_88 = arith.constant 0 : i32
        %cond3A_89 = arith.cmpi ne, %convert_element_type3A_87, %cond3A_88 : i32
        scf.if %cond3A_89 {
          %add3A_95 = arith.constant 1 : i32
          %add3A_96 = arith.addi %scan3A_49, %add3A_95 : i32
          %mul3A_97 = arith.constant 80 : i32
          %mul3A_98 = arith.muli %add3A_96, %mul3A_97 : i32
          %dma_start3A_99 = tpu.memref_slice %arg7[%mul3A_98] : memref<10000xi32, #tpu.memory_space<vmem>> -> memref<80xi32, #tpu.memory_space<vmem>>
          %dma_start3A_100 = arith.constant 0 : i32
          %dma_start3A_101 = arith.constant 0 : i32
          %dma_start3A_102 = tpu.memref_slice %arg2[%dma_start3A_100, %dma_start3A_101] : memref<10240x128xf32, #tpu.memory_space<hbm>> -> memref<10240x128xf32, #tpu.memory_space<hbm>>
          tpu.enqueue_indirect_dma source(%dma_start3A_102 : memref<10240x128xf32, #tpu.memory_space<hbm>>) target(%arg10 : memref<80x128xf32, #tpu.memory_space<vmem>>) offsets(%dma_start3A_99 : memref<80xi32, #tpu.memory_space<vmem>>) semaphore(%arg13 : memref<!tpu.dma_semaphore, #tpu.memory_space<semaphore_mem>>)
        } else {
        }
        %dma_wait3A = arith.constant 0 : i32
        %dma_wait3A_90 = arith.constant 0 : i32
        %dma_wait3A_91 = tpu.memref_slice %arg5[%dma_wait3A, %dma_wait3A_90] : memref<640x128xf32, #tpu.memory_space<hbm>> -> memref<80x128xf32, #tpu.memory_space<hbm>>
        %dma_wait3A_92 = arith.constant 0 : i32
        %dma_wait3A_93 = arith.constant 0 : i32
        %dma_wait3A_94 = tpu.memref_slice %arg5[%dma_wait3A_92, %dma_wait3A_93] : memref<640x128xf32, #tpu.memory_space<hbm>> -> memref<80x128xf32, #tpu.memory_space<hbm>>
        tpu.wait_dma2 semaphore(%arg12 : memref<!tpu.dma_semaphore, #tpu.memory_space<semaphore_mem>>) src(%dma_wait3A_94 : memref<80x128xf32, #tpu.memory_space<hbm>>) dst(%arg9 : memref<80x128xf32, #tpu.memory_space<vmem>>)
        "tpu.region"() ({
          %run_scoped3A = tpu.sem_alloc : memref<!tpu.dma_semaphore, #tpu.memory_space<semaphore_mem>>
          %dma_start3A_95 = arith.constant 0 : i32
          %dma_start3A_96 = tpu.memref_slice %arg8[%scan3A_49, %dma_start3A_95] : memref<125x80xi32, #tpu.memory_space<vmem>> -> memref<1x80xi32, #tpu.memory_space<vmem>>
          %dma_start3A_97 = tpu.memref_squeeze %dma_start3A_96 : memref<1x80xi32, #tpu.memory_space<vmem>> -> memref<80xi32, #tpu.memory_space<vmem>>
          %dma_start3A_98 = arith.constant 0 : i32
          %dma_start3A_99 = arith.constant 0 : i32
          %dma_start3A_100 = tpu.memref_slice %arg11[%dma_start3A_98, %dma_start3A_99] : memref<10240x128xf32, #tpu.memory_space<vmem_shared>> -> memref<10240x128xf32, #tpu.memory_space<vmem_shared>>
          tpu.enqueue_indirect_dma source(%arg9 : memref<80x128xf32, #tpu.memory_space<vmem>>) target(%dma_start3A_100 : memref<10240x128xf32, #tpu.memory_space<vmem_shared>>) offsets(%dma_start3A_97 : memref<80xi32, #tpu.memory_space<vmem>>) semaphore(%run_scoped3A : memref<!tpu.dma_semaphore, #tpu.memory_space<semaphore_mem>>) {add = true}
          %dma_wait3A_101 = arith.constant 0 : i32
          %dma_wait3A_102 = tpu.memref_slice %arg8[%scan3A_49, %dma_wait3A_101] : memref<125x80xi32, #tpu.memory_space<vmem>> -> memref<1x80xi32, #tpu.memory_space<vmem>>
          %dma_wait3A_103 = tpu.memref_squeeze %dma_wait3A_102 : memref<1x80xi32, #tpu.memory_space<vmem>> -> memref<80xi32, #tpu.memory_space<vmem>>
          %dma_wait3A_104 = arith.constant 0 : i32
          %dma_wait3A_105 = arith.constant 0 : i32
          %dma_wait3A_106 = tpu.memref_slice %arg11[%dma_wait3A_104, %dma_wait3A_105] : memref<10240x128xf32, #tpu.memory_space<vmem_shared>> -> memref<10240x128xf32, #tpu.memory_space<vmem_shared>>
          tpu.wait_indirect_dma semaphore(%run_scoped3A : memref<!tpu.dma_semaphore, #tpu.memory_space<semaphore_mem>>) src(%arg9 : memref<80x128xf32, #tpu.memory_space<vmem>>) dst(%dma_wait3A_106 : memref<10240x128xf32, #tpu.memory_space<vmem_shared>>)
          tpu.yield
        }) : () -> ()
      } else {
      }
      %jit3A_62 = arith.constant 2 : i32
      %eq3A_63 = arith.constant 0 : i32
      %eq3A_64 = arith.cmpi eq, %jit3A_62, %eq3A_63 : i32
      %jit3A_65 = arith.constant 1 : i32
      %select_n3A_66 = arith.select %eq3A_64, %jit3A_65, %jit3A_62 : i32
      %rem3A_67 = arith.remsi %scan3A_49, %select_n3A_66 : i32
      %ne3A_68 = arith.constant 0 : i32
      %ne3A_69 = arith.cmpi ne, %rem3A_67, %ne3A_68 : i32
      %lt3A_70 = arith.constant 0 : i32
      %lt3A_71 = arith.cmpi slt, %rem3A_67, %lt3A_70 : i32
      %lt3A_72 = arith.constant 0 : i32
      %lt3A_73 = arith.cmpi slt, %select_n3A_66, %lt3A_72 : i32
      %ne3A_74 = arith.xori %lt3A_71, %lt3A_73 : i1
      %and3A_75 = arith.andi %ne3A_74, %ne3A_69 : i1
      %add3A_76 = arith.addi %rem3A_67, %select_n3A_66 : i32
      %select_n3A_77 = arith.select %and3A_75, %add3A_76, %rem3A_67 : i32
      %eq3A_78 = arith.constant 1 : i32
      %eq3A_79 = arith.cmpi eq, %select_n3A_77, %eq3A_78 : i32
      %convert_element_type3A_80 = arith.extui %eq3A_79 : i1 to i32
      %cond3A_81 = arith.constant 0 : i32
      %cond3A_82 = arith.cmpi ne, %convert_element_type3A_80, %cond3A_81 : i32
      scf.if %cond3A_82 {
        %add3A_83 = arith.constant 1 : i32
        %add3A_84 = arith.addi %scan3A_49, %add3A_83 : i32
        %lt3A_85 = arith.constant 125 : i32
        %lt3A_86 = arith.cmpi slt, %add3A_84, %lt3A_85 : i32
        %convert_element_type3A_87 = arith.extui %lt3A_86 : i1 to i32
        %cond3A_88 = arith.constant 0 : i32
        %cond3A_89 = arith.cmpi ne, %convert_element_type3A_87, %cond3A_88 : i32
        scf.if %cond3A_89 {
          %add3A_95 = arith.constant 1 : i32
          %add3A_96 = arith.addi %scan3A_49, %add3A_95 : i32
          %mul3A_97 = arith.constant 80 : i32
          %mul3A_98 = arith.muli %add3A_96, %mul3A_97 : i32
          %dma_start3A_99 = tpu.memref_slice %arg7[%mul3A_98] : memref<10000xi32, #tpu.memory_space<vmem>> -> memref<80xi32, #tpu.memory_space<vmem>>
          %dma_start3A_100 = arith.constant 0 : i32
          %dma_start3A_101 = arith.constant 0 : i32
          %dma_start3A_102 = tpu.memref_slice %arg2[%dma_start3A_100, %dma_start3A_101] : memref<10240x128xf32, #tpu.memory_space<hbm>> -> memref<10240x128xf32, #tpu.memory_space<hbm>>
          tpu.enqueue_indirect_dma source(%dma_start3A_102 : memref<10240x128xf32, #tpu.memory_space<hbm>>) target(%arg9 : memref<80x128xf32, #tpu.memory_space<vmem>>) offsets(%dma_start3A_99 : memref<80xi32, #tpu.memory_space<vmem>>) semaphore(%arg12 : memref<!tpu.dma_semaphore, #tpu.memory_space<semaphore_mem>>)
        } else {
        }
        %dma_wait3A = arith.constant 0 : i32
        %dma_wait3A_90 = arith.constant 0 : i32
        %dma_wait3A_91 = tpu.memref_slice %arg5[%dma_wait3A, %dma_wait3A_90] : memref<640x128xf32, #tpu.memory_space<hbm>> -> memref<80x128xf32, #tpu.memory_space<hbm>>
        %dma_wait3A_92 = arith.constant 0 : i32
        %dma_wait3A_93 = arith.constant 0 : i32
        %dma_wait3A_94 = tpu.memref_slice %arg5[%dma_wait3A_92, %dma_wait3A_93] : memref<640x128xf32, #tpu.memory_space<hbm>> -> memref<80x128xf32, #tpu.memory_space<hbm>>
        tpu.wait_dma2 semaphore(%arg13 : memref<!tpu.dma_semaphore, #tpu.memory_space<semaphore_mem>>) src(%dma_wait3A_94 : memref<80x128xf32, #tpu.memory_space<hbm>>) dst(%arg10 : memref<80x128xf32, #tpu.memory_space<vmem>>)
        "tpu.region"() ({
          %run_scoped3A = tpu.sem_alloc : memref<!tpu.dma_semaphore, #tpu.memory_space<semaphore_mem>>
          %dma_start3A_95 = arith.constant 0 : i32
          %dma_start3A_96 = tpu.memref_slice %arg8[%scan3A_49, %dma_start3A_95] : memref<125x80xi32, #tpu.memory_space<vmem>> -> memref<1x80xi32, #tpu.memory_space<vmem>>
          %dma_start3A_97 = tpu.memref_squeeze %dma_start3A_96 : memref<1x80xi32, #tpu.memory_space<vmem>> -> memref<80xi32, #tpu.memory_space<vmem>>
          %dma_start3A_98 = arith.constant 0 : i32
          %dma_start3A_99 = arith.constant 0 : i32
          %dma_start3A_100 = tpu.memref_slice %arg11[%dma_start3A_98, %dma_start3A_99] : memref<10240x128xf32, #tpu.memory_space<vmem_shared>> -> memref<10240x128xf32, #tpu.memory_space<vmem_shared>>
          tpu.enqueue_indirect_dma source(%arg10 : memref<80x128xf32, #tpu.memory_space<vmem>>) target(%dma_start3A_100 : memref<10240x128xf32, #tpu.memory_space<vmem_shared>>) offsets(%dma_start3A_97 : memref<80xi32, #tpu.memory_space<vmem>>) semaphore(%run_scoped3A : memref<!tpu.dma_semaphore, #tpu.memory_space<semaphore_mem>>) {add = true}
          %dma_wait3A_101 = arith.constant 0 : i32
          %dma_wait3A_102 = tpu.memref_slice %arg8[%scan3A_49, %dma_wait3A_101] : memref<125x80xi32, #tpu.memory_space<vmem>> -> memref<1x80xi32, #tpu.memory_space<vmem>>
          %dma_wait3A_103 = tpu.memref_squeeze %dma_wait3A_102 : memref<1x80xi32, #tpu.memory_space<vmem>> -> memref<80xi32, #tpu.memory_space<vmem>>
          %dma_wait3A_104 = arith.constant 0 : i32
          %dma_wait3A_105 = arith.constant 0 : i32
          %dma_wait3A_106 = tpu.memref_slice %arg11[%dma_wait3A_104, %dma_wait3A_105] : memref<10240x128xf32, #tpu.memory_space<vmem_shared>> -> memref<10240x128xf32, #tpu.memory_space<vmem_shared>>
          tpu.wait_indirect_dma semaphore(%run_scoped3A : memref<!tpu.dma_semaphore, #tpu.memory_space<semaphore_mem>>) src(%arg10 : memref<80x128xf32, #tpu.memory_space<vmem>>) dst(%dma_wait3A_106 : memref<10240x128xf32, #tpu.memory_space<vmem_shared>>)
          tpu.yield
        }) : () -> ()
      } else {
      }
    }
    %scan3A_43 = arith.constant 125 : i32
    %barrier3A_44 = arith.constant 0 : index
    tpu.barrier barrier_id(%barrier3A_44)
    %mul3A_45 = arith.constant 640 : i32
    %mul3A_46 = arith.muli %arg1, %mul3A_45 : i32
    %mul3A_47 = arith.constant 640 : i32
    %mul3A_48 = arith.muli %arg1, %mul3A_47 : i32
    "tpu.region"() ({
      %run_scoped3A = tpu.sem_alloc : memref<!tpu.dma_semaphore, #tpu.memory_space<semaphore_mem>>
      %dma_start3A_49 = arith.constant 0 : i32
      %dma_start3A_50 = tpu.memref_slice %arg6[%arg0, %mul3A_48, %dma_start3A_49] : memref<2x10240x128xf32, #tpu.memory_space<hbm>> -> memref<1x640x128xf32, #tpu.memory_space<hbm>>
      %dma_start3A_51 = tpu.memref_squeeze %dma_start3A_50 : memref<1x640x128xf32, #tpu.memory_space<hbm>> -> memref<640x128xf32, #tpu.memory_space<hbm>>
      %dma_start3A_52 = arith.constant 0 : i32
      %dma_start3A_53 = tpu.memref_slice %arg11[%mul3A_46, %dma_start3A_52] : memref<10240x128xf32, #tpu.memory_space<vmem_shared>> -> memref<640x128xf32, #tpu.memory_space<vmem_shared>>
      tpu.enqueue_dma source(%dma_start3A_53 : memref<640x128xf32, #tpu.memory_space<vmem_shared>>) target(%dma_start3A_51 : memref<640x128xf32, #tpu.memory_space<hbm>>) target_semaphore(%run_scoped3A : memref<!tpu.dma_semaphore, #tpu.memory_space<semaphore_mem>>)
      %dma_wait3A = arith.constant 0 : i32
      %dma_wait3A_54 = tpu.memref_slice %arg6[%arg0, %mul3A_48, %dma_wait3A] : memref<2x10240x128xf32, #tpu.memory_space<hbm>> -> memref<1x640x128xf32, #tpu.memory_space<hbm>>
      %dma_wait3A_55 = tpu.memref_squeeze %dma_wait3A_54 : memref<1x640x128xf32, #tpu.memory_space<hbm>> -> memref<640x128xf32, #tpu.memory_space<hbm>>
      %dma_wait3A_56 = arith.constant 0 : i32
      %dma_wait3A_57 = tpu.memref_slice %arg11[%mul3A_46, %dma_wait3A_56] : memref<10240x128xf32, #tpu.memory_space<vmem_shared>> -> memref<640x128xf32, #tpu.memory_space<vmem_shared>>
      tpu.wait_dma2 semaphore(%run_scoped3A : memref<!tpu.dma_semaphore, #tpu.memory_space<semaphore_mem>>) src(%dma_wait3A_57 : memref<640x128xf32, #tpu.memory_space<vmem_shared>>) dst(%dma_wait3A_55 : memref<640x128xf32, #tpu.memory_space<hbm>>)
      tpu.yield
    }) : () -> ()
    return
  }
}

module attributes {stable_mosaic.version = 14 : i64} {
  func.func @_tc1a_body(%arg0: i32, %arg1: memref<128x1280xf32, #tpu.memory_space<vmem>>, %arg2: memref<128x128xf32, #tpu.memory_space<vmem>>, %arg3: memref<1280x128xf32, #tpu.memory_space<vmem>>) attributes {dimension_semantics = [#tpu.dimension_semantics<arbitrary>], iteration_bounds = array<i64: 8>, scalar_prefetch = 0 : i64, scratch_operands = 0 : i64, tpu.core_type = #tpu.core_type<tc>, window_params = [{transform_indices = @transform_0, window_bounds = array<i64: 128, 1280>}, {pipeline_mode = #tpu.pipeline_mode<synchronous>, transform_indices = @transform_1, window_bounds = array<i64: 128, 128>}, {transform_indices = @transform_2, window_bounds = array<i64: 1280, 128>}]} {
    %get3A = arith.constant 0 : index
    %get3A_0 = arith.constant 0 : index
    %get3A_1 = vector.load %arg1[%get3A, %get3A_0] : memref<128x1280xf32, #tpu.memory_space<vmem>>, vector<128x1280xf32>
    %get3A_2 = arith.constant 0 : index
    %get3A_3 = arith.constant 0 : index
    %get3A_4 = vector.load %arg2[%get3A_2, %get3A_3] : memref<128x128xf32, #tpu.memory_space<vmem>>, vector<128x128xf32>
    %dot_general3A = arith.constant dense<0.000000e+00> : vector<1280x128xf32>
    %dot_general3A_5 = tpu.matmul %get3A_1, %get3A_4, %dot_general3A {dimension_numbers = #tpu.dot_dimension_numbers<[0], [0], [1], [1], [0, 1, 1, 1], [], []>, transpose_lhs_hint = false} : vector<128x1280xf32>, vector<128x128xf32>, vector<1280x128xf32> -> vector<1280x128xf32>
    %swap3A = arith.constant 0 : index
    %swap3A_6 = arith.constant 0 : index
    %swap3A_7 = vector.load %arg3[%swap3A, %swap3A_6] : memref<1280x128xf32, #tpu.memory_space<vmem>>, vector<1280x128xf32>
    tpu.vector_store %arg3[%swap3A, %swap3A_6], %dot_general3A_5 {strides = array<i32>} : memref<1280x128xf32, #tpu.memory_space<vmem>>, vector<1280x128xf32>,
    return
  }
  func.func @transform_0(%arg0: i32) -> (i32, i32) {
    %c0_i32 = arith.constant 0 : i32
    %c0_i32_0 = arith.constant 0 : i32
    return %c0_i32, %arg0 : i32, i32
  }
  func.func @transform_1(%arg0: i32) -> (i32, i32) {
    %c0_i32 = arith.constant 0 : i32
    %c0_i32_0 = arith.constant 0 : i32
    %c0_i32_1 = arith.constant 0 : i32
    return %c0_i32, %c0_i32_0 : i32, i32
  }
  func.func @transform_2(%arg0: i32) -> (i32, i32) {
    %c0_i32 = arith.constant 0 : i32
    %c0_i32_0 = arith.constant 0 : i32
    return %arg0, %c0_i32 : i32, i32
  }
}

module attributes {stable_mosaic.version = 14 : i64} {
  func.func @_tc1b_body(%arg0: i32, %arg1: memref<1280x128xf32, #tpu.memory_space<vmem>>, %arg2: memref<2x1280x128xf32, #tpu.memory_space<vmem>>, %arg3: memref<1280x128xf32, #tpu.memory_space<vmem>>) attributes {dimension_semantics = [#tpu.dimension_semantics<arbitrary>], iteration_bounds = array<i64: 8>, scalar_prefetch = 0 : i64, scratch_operands = 0 : i64, tpu.core_type = #tpu.core_type<tc>, window_params = [{transform_indices = @transform_0, window_bounds = array<i64: 1280, 128>}, {transform_indices = @transform_1, window_bounds = array<i64: 2, 1280, 128>}, {transform_indices = @transform_2, window_bounds = array<i64: 1280, 128>}]} {
    %get3A = arith.constant 0 : index
    %get3A_0 = arith.constant 0 : index
    %get3A_1 = arith.constant 0 : index
    %get3A_2 = vector.load %arg2[%get3A, %get3A_0, %get3A_1] : memref<2x1280x128xf32, #tpu.memory_space<vmem>>, vector<1x1280x1xf32>
    %get3A_3 = vector.shape_cast %get3A_2 : vector<1x1280x1xf32> to vector<1280x1xf32>
    %max3A = arith.constant 1.000000e+00 : f32
    %max3A_4 = vector.broadcast %max3A : f32 to vector<1280x1xf32>
    %max3A_5 = arith.maximumf %get3A_3, %max3A_4 : vector<1280x1xf32>
    %rsqrt3A = math.rsqrt %max3A_5 : vector<1280x1xf32>
    %get3A_6 = arith.constant 0 : index
    %get3A_7 = arith.constant 0 : index
    %get3A_8 = vector.load %arg1[%get3A_6, %get3A_7] : memref<1280x128xf32, #tpu.memory_space<vmem>>, vector<1280x128xf32>
    %mul3A = vector.broadcast %rsqrt3A : vector<1280x1xf32> to vector<1280x128xf32>
    %mul3A_9 = arith.mulf %get3A_8, %mul3A : vector<1280x128xf32>
    %swap3A = arith.constant 0 : index
    %swap3A_10 = arith.constant 0 : index
    %swap3A_11 = vector.load %arg3[%swap3A, %swap3A_10] : memref<1280x128xf32, #tpu.memory_space<vmem>>, vector<1280x128xf32>
    tpu.vector_store %arg3[%swap3A, %swap3A_10], %mul3A_9 {strides = array<i32>} : memref<1280x128xf32, #tpu.memory_space<vmem>>, vector<1280x128xf32>,
    return
  }
  func.func @transform_0(%arg0: i32) -> (i32, i32) {
    %c0_i32 = arith.constant 0 : i32
    %c0_i32_0 = arith.constant 0 : i32
    return %arg0, %c0_i32 : i32, i32
  }
  func.func @transform_1(%arg0: i32) -> (i32, i32, i32) {
    %c0_i32 = arith.constant 0 : i32
    %c0_i32_0 = arith.constant 0 : i32
    %c0_i32_1 = arith.constant 0 : i32
    return %c0_i32, %arg0, %c0_i32_0 : i32, i32, i32
  }
  func.func @transform_2(%arg0: i32) -> (i32, i32) {
    %c0_i32 = arith.constant 0 : i32
    %c0_i32_0 = arith.constant 0 : i32
    return %arg0, %c0_i32 : i32, i32
  }
}

module attributes {stable_mosaic.version = 14 : i64} {
  func.func @_tc2_body(%arg0: i32, %arg1: memref<2x1280x128xf32, #tpu.memory_space<vmem>>, %arg2: memref<2x1280x128xf32, #tpu.memory_space<vmem>>, %arg3: memref<1x128xf32, #tpu.memory_space<vmem>>, %arg4: memref<1280x128xf32, #tpu.memory_space<vmem>>) attributes {dimension_semantics = [#tpu.dimension_semantics<arbitrary>], iteration_bounds = array<i64: 8>, scalar_prefetch = 0 : i64, scratch_operands = 0 : i64, tpu.core_type = #tpu.core_type<tc>, window_params = [{transform_indices = @transform_0, window_bounds = array<i64: 2, 1280, 128>}, {transform_indices = @transform_1, window_bounds = array<i64: 2, 1280, 128>}, {pipeline_mode = #tpu.pipeline_mode<synchronous>, transform_indices = @transform_2, window_bounds = array<i64: 1, 128>}, {transform_indices = @transform_3, window_bounds = array<i64: 1280, 128>}]} {
    %get3A = arith.constant 0 : index
    %get3A_0 = arith.constant 0 : index
    %get3A_1 = arith.constant 0 : index
    %get3A_2 = vector.load %arg1[%get3A, %get3A_0, %get3A_1] : memref<2x1280x128xf32, #tpu.memory_space<vmem>>, vector<1x1280x128xf32>
    %get3A_3 = vector.shape_cast %get3A_2 : vector<1x1280x128xf32> to vector<1280x128xf32>
    %get3A_4 = arith.constant 1 : index
    %get3A_5 = arith.constant 0 : index
    %get3A_6 = arith.constant 0 : index
    %get3A_7 = vector.load %arg1[%get3A_4, %get3A_5, %get3A_6] : memref<2x1280x128xf32, #tpu.memory_space<vmem>>, vector<1x1280x128xf32>
    %get3A_8 = vector.shape_cast %get3A_7 : vector<1x1280x128xf32> to vector<1280x128xf32>
    %add3A = arith.addf %get3A_3, %get3A_8 : vector<1280x128xf32>
    %get3A_9 = arith.constant 0 : index
    %get3A_10 = arith.constant 0 : index
    %get3A_11 = arith.constant 0 : index
    %get3A_12 = vector.load %arg2[%get3A_9, %get3A_10, %get3A_11] : memref<2x1280x128xf32, #tpu.memory_space<vmem>>, vector<1x1280x1xf32>
    %get3A_13 = vector.shape_cast %get3A_12 : vector<1x1280x1xf32> to vector<1280x1xf32>
    %max3A = arith.constant 1.000000e+00 : f32
    %max3A_14 = vector.broadcast %max3A : f32 to vector<1280x1xf32>
    %max3A_15 = arith.maximumf %get3A_13, %max3A_14 : vector<1280x1xf32>
    %rsqrt3A = math.rsqrt %max3A_15 : vector<1280x1xf32>
    %get3A_16 = arith.constant 1 : index
    %get3A_17 = arith.constant 0 : index
    %get3A_18 = arith.constant 0 : index
    %get3A_19 = vector.load %arg2[%get3A_16, %get3A_17, %get3A_18] : memref<2x1280x128xf32, #tpu.memory_space<vmem>>, vector<1x1280x1xf32>
    %get3A_20 = vector.shape_cast %get3A_19 : vector<1x1280x1xf32> to vector<1280x1xf32>
    %max3A_21 = arith.constant 1.000000e+00 : f32
    %max3A_22 = vector.broadcast %max3A_21 : f32 to vector<1280x1xf32>
    %max3A_23 = arith.maximumf %get3A_20, %max3A_22 : vector<1280x1xf32>
    %rsqrt3A_24 = math.rsqrt %max3A_23 : vector<1280x1xf32>
    %mul3A = vector.broadcast %rsqrt3A_24 : vector<1280x1xf32> to vector<1280x128xf32>
    %mul3A_25 = arith.mulf %add3A, %mul3A : vector<1280x128xf32>
    %get3A_26 = arith.constant 0 : index
    %get3A_27 = arith.constant 0 : index
    %get3A_28 = vector.load %arg3[%get3A_26, %get3A_27] : memref<1x128xf32, #tpu.memory_space<vmem>>, vector<1x128xf32>
    %add3A_29 = vector.broadcast %get3A_28 : vector<1x128xf32> to vector<1280x128xf32>
    %add3A_30 = arith.addf %mul3A_25, %add3A_29 : vector<1280x128xf32>
    %max3A_31 = arith.constant 0.000000e+00 : f32
    %max3A_32 = vector.broadcast %max3A_31 : f32 to vector<1280x128xf32>
    %max3A_33 = arith.maximumf %add3A_30, %max3A_32 : vector<1280x128xf32>
    %mul3A_34 = vector.broadcast %rsqrt3A : vector<1280x1xf32> to vector<1280x128xf32>
    %mul3A_35 = arith.mulf %mul3A_34, %max3A_33 : vector<1280x128xf32>
    %swap3A = arith.constant 0 : index
    %swap3A_36 = arith.constant 0 : index
    %swap3A_37 = vector.load %arg4[%swap3A, %swap3A_36] : memref<1280x128xf32, #tpu.memory_space<vmem>>, vector<1280x128xf32>
    tpu.vector_store %arg4[%swap3A, %swap3A_36], %mul3A_35 {strides = array<i32>} : memref<1280x128xf32, #tpu.memory_space<vmem>>, vector<1280x128xf32>,
    return
  }
  func.func @transform_0(%arg0: i32) -> (i32, i32, i32) {
    %c0_i32 = arith.constant 0 : i32
    %c0_i32_0 = arith.constant 0 : i32
    %c0_i32_1 = arith.constant 0 : i32
    return %c0_i32, %arg0, %c0_i32_0 : i32, i32, i32
  }
  func.func @transform_1(%arg0: i32) -> (i32, i32, i32) {
    %c0_i32 = arith.constant 0 : i32
    %c0_i32_0 = arith.constant 0 : i32
    %c0_i32_1 = arith.constant 0 : i32
    return %c0_i32, %arg0, %c0_i32_0 : i32, i32, i32
  }
  func.func @transform_2(%arg0: i32) -> (i32, i32) {
    %c0_i32 = arith.constant 0 : i32
    %c0_i32_0 = arith.constant 0 : i32
    %c0_i32_1 = arith.constant 0 : i32
    return %c0_i32, %c0_i32_0 : i32, i32
  }
  func.func @transform_3(%arg0: i32) -> (i32, i32) {
    %c0_i32 = arith.constant 0 : i32
    %c0_i32_0 = arith.constant 0 : i32
    return %arg0, %c0_i32 : i32, i32
  }
}

module attributes {stable_mosaic.version = 14 : i64} {
  func.func @_tc3_body(%arg0: i32, %arg1: memref<2x1280x128xf32, #tpu.memory_space<vmem>>, %arg2: memref<2x1280x128xf32, #tpu.memory_space<vmem>>, %arg3: memref<128x128xf32, #tpu.memory_space<vmem>>, %arg4: memref<128x1xf32, #tpu.memory_space<vmem>>, %arg5: memref<128x1280xf32, #tpu.memory_space<vmem>>) attributes {dimension_semantics = [#tpu.dimension_semantics<arbitrary>], iteration_bounds = array<i64: 8>, scalar_prefetch = 0 : i64, scratch_operands = 0 : i64, tpu.core_type = #tpu.core_type<tc>, window_params = [{transform_indices = @transform_0, window_bounds = array<i64: 2, 1280, 128>}, {transform_indices = @transform_1, window_bounds = array<i64: 2, 1280, 128>}, {pipeline_mode = #tpu.pipeline_mode<synchronous>, transform_indices = @transform_2, window_bounds = array<i64: 128, 128>}, {pipeline_mode = #tpu.pipeline_mode<synchronous>, transform_indices = @transform_3, window_bounds = array<i64: 128, 1>}, {transform_indices = @transform_4, window_bounds = array<i64: 128, 1280>}]} {
    %get3A = arith.constant 1 : index
    %get3A_0 = arith.constant 0 : index
    %get3A_1 = arith.constant 0 : index
    %get3A_2 = vector.load %arg2[%get3A, %get3A_0, %get3A_1] : memref<2x1280x128xf32, #tpu.memory_space<vmem>>, vector<1x1280x1xf32>
    %get3A_3 = vector.shape_cast %get3A_2 : vector<1x1280x1xf32> to vector<1280x1xf32>
    %max3A = arith.constant 1.000000e+00 : f32
    %max3A_4 = vector.broadcast %max3A : f32 to vector<1280x1xf32>
    %max3A_5 = arith.maximumf %get3A_3, %max3A_4 : vector<1280x1xf32>
    %rsqrt3A = math.rsqrt %max3A_5 : vector<1280x1xf32>
    %get3A_6 = arith.constant 0 : index
    %get3A_7 = arith.constant 0 : index
    %get3A_8 = arith.constant 0 : index
    %get3A_9 = vector.load %arg1[%get3A_6, %get3A_7, %get3A_8] : memref<2x1280x128xf32, #tpu.memory_space<vmem>>, vector<1x1280x128xf32>
    %get3A_10 = vector.shape_cast %get3A_9 : vector<1x1280x128xf32> to vector<1280x128xf32>
    %get3A_11 = arith.constant 1 : index
    %get3A_12 = arith.constant 0 : index
    %get3A_13 = arith.constant 0 : index
    %get3A_14 = vector.load %arg1[%get3A_11, %get3A_12, %get3A_13] : memref<2x1280x128xf32, #tpu.memory_space<vmem>>, vector<1x1280x128xf32>
    %get3A_15 = vector.shape_cast %get3A_14 : vector<1x1280x128xf32> to vector<1280x128xf32>
    %add3A = arith.addf %get3A_10, %get3A_15 : vector<1280x128xf32>
    %mul3A = vector.broadcast %rsqrt3A : vector<1280x1xf32> to vector<1280x128xf32>
    %mul3A_16 = arith.mulf %add3A, %mul3A : vector<1280x128xf32>
    %get3A_17 = arith.constant 0 : index
    %get3A_18 = arith.constant 0 : index
    %get3A_19 = vector.load %arg3[%get3A_17, %get3A_18] : memref<128x128xf32, #tpu.memory_space<vmem>>, vector<128x128xf32>
    %dot_general3A = arith.constant dense<0.000000e+00> : vector<128x1280xf32>
    %dot_general3A_20 = tpu.matmul %get3A_19, %mul3A_16, %dot_general3A {dimension_numbers = #tpu.dot_dimension_numbers<[0], [1], [1], [0], [0, 1, 1, 0], [], []>, transpose_lhs_hint = false} : vector<128x128xf32>, vector<1280x128xf32>, vector<128x1280xf32> -> vector<128x1280xf32>
    %get3A_21 = arith.constant 0 : index
    %get3A_22 = arith.constant 0 : index
    %get3A_23 = vector.load %arg4[%get3A_21, %get3A_22] : memref<128x1xf32, #tpu.memory_space<vmem>>, vector<128x1xf32>
    %add3A_24 = vector.broadcast %get3A_23 : vector<128x1xf32> to vector<128x1280xf32>
    %add3A_25 = arith.addf %dot_general3A_20, %add3A_24 : vector<128x1280xf32>
    %swap3A = arith.constant 0 : index
    %swap3A_26 = arith.constant 0 : index
    %swap3A_27 = vector.load %arg5[%swap3A, %swap3A_26] : memref<128x1280xf32, #tpu.memory_space<vmem>>, vector<128x1280xf32>
    tpu.vector_store %arg5[%swap3A, %swap3A_26], %add3A_25 {strides = array<i32>} : memref<128x1280xf32, #tpu.memory_space<vmem>>, vector<128x1280xf32>,
    return
  }
  func.func @transform_0(%arg0: i32) -> (i32, i32, i32) {
    %c0_i32 = arith.constant 0 : i32
    %c0_i32_0 = arith.constant 0 : i32
    %c0_i32_1 = arith.constant 0 : i32
    return %c0_i32, %arg0, %c0_i32_0 : i32, i32, i32
  }
  func.func @transform_1(%arg0: i32) -> (i32, i32, i32) {
    %c0_i32 = arith.constant 0 : i32
    %c0_i32_0 = arith.constant 0 : i32
    %c0_i32_1 = arith.constant 0 : i32
    return %c0_i32, %arg0, %c0_i32_0 : i32, i32, i32
  }
  func.func @transform_2(%arg0: i32) -> (i32, i32) {
    %c0_i32 = arith.constant 0 : i32
    %c0_i32_0 = arith.constant 0 : i32
    %c0_i32_1 = arith.constant 0 : i32
    return %c0_i32, %c0_i32_0 : i32, i32
  }
  func.func @transform_3(%arg0: i32) -> (i32, i32) {
    %c0_i32 = arith.constant 0 : i32
    %c0_i32_0 = arith.constant 0 : i32
    %c0_i32_1 = arith.constant 0 : i32
    return %c0_i32, %c0_i32_0 : i32, i32
  }
  func.func @transform_4(%arg0: i32) -> (i32, i32) {
    %c0_i32 = arith.constant 0 : i32
    %c0_i32_0 = arith.constant 0 : i32
    return %c0_i32, %arg0 : i32, i32
  }
}

</mosaic_0001>

<sc_bundles>
// kernel: kernel.12.cloned.1.call-start
scs
__scs_entry_jumppad:
0x0: {  	(pc) =	sbr.rel $0x88, $3  }
0x1: {  	(tag) =	ssettag $0x0;
	lr =	simm.s32 $0x1  }
0x2: {  	[smem:$0x3F9B] =	sst lr;
	_ =	strace $0xD0000000  }
0x3: {  	_ = 	snop  }
0x4: {  	_ = 	snop  }
0x5: {  	_ = 	snop  }
0x6: {  	_ = 	snop  }
0x7: {  	_ = 	snop  }
__scs_overlays_trampoline_lowered:
0x8: {  	[smem:$0x3FAA] =	sst s0  }
0x9: {  	[smem:$0x3FAB] =	sst s1  }
0xa: {  	[smem:$0x3FAC] =	sst s2  }
0xb: {  	[smem:$0x3FAD] =	sst s3  }
0xc: {  	[smem:$0x3FAE] =	sst s4  }
0xd: {  	[smem:$0x3FAF] =	sst s5  }
0xe: {  	[smem:$0x3FB0] =	sst s6  }
0xf: {  	[smem:$0x3FB1] =	sst s7  }
0x10: {  	[smem:$0x3FB2] =	sst s8  }
0x11: {  	[smem:$0x3FB3] =	sst s9;
	s0 =	simm.s32 @!p0 $0x0  }
0x12: {  	s1 =	sld [smem:$0x3F99];
	s0 =	simm.s32 @p0 $0x1  }
0x13: {  	[smem:$0x3FB4] =	sst s0;
	s0 =	simm.s32 @!p1 $0x0  }
0x14: {  	s2 =	sld [smem:$0x3F98];
	s0 =	simm.s32 @p1 $0x1  }
0x15: {  	[smem:$0x3FB5] =	sst s0;
	s0 =	simm.s32 @!p2 $0x0  }
0x16: {  	s3 =	sld [smem:$0x3FDB];
	s0 =	simm.s32 @p2 $0x1  }
0x17: {  	s4 =	simm.s32 $0x1BF5;
	[smem:$0x3FB7] =	sst s0  }
0x18: {  	s0 =	sld [smem:$0x3F9A];
	_ =	swait.ge [sflag:s4], $0x0  }
0x19: {  	s7 =	sld [smem:$0x3F9B]  }
0x1a: {  	s8 =	sadd.s32 $0xFFFFE003, lr  }
0x1b: {  	s9 =	sadd.s32 $0xFFFFFEF7, lr;
	s5 =	simm.s32 $0xFFFFFFFF;
	p2 =	slt.u32 s8, $0xFFFFF086  }
0x1c: {  	p1 =	slt.u32 s9, $0xF7A;
	s5 =	simm.s32 @!p2 $0x0  }
0x1d: {  	s5 =	simm.s32 @p1 $0x1;
	p0 =	seq.s32 s7, s2  }
0x1e: {  	s7 =	smul.u32 @!p0 $0xF7A, s2;
	p2 =	seq.s32 @!p0 s5, $0x0  }
0x1f: {  	s9 =	smul.u32 $0xF7A, s1;
	s8 =	simm.s32 @!p0 $0x1BF5;
	p2 =	por !p2, p0  }
0x20: {  	[sflag:s8] =	ssyncset.s32 @!p0 $0xFFFFF086;
	s6 =	sadd.s32 @!p0 s3, s7;
	s7 =	simm.s32 @!p0 $0x108  }
0x21: {  	s3 =	sadd.s32 s3, s9;
	s6 =	sadd.s32 @!p0 $0x88, s6;
	s7 =	simm.s32 @p2 $0x1082  }
0x22: {  	[simem:s7], [sflag:s8] =	dma.local @!p0 [hbm:s6], $0xF7A  }
0x23: {  	s9 =	sor.u32 $0xD0000000, s2;
	s6 =	simm.s32 $0x108;
	_ =	swait.ge @!p0 [sflag:s8], $0x0  }
0x24: {  	s3 =	sadd.s32 $0x88, s3;
	s6 =	simm.s32 @!p1 $0x1082;
	[sflag:s4] =	ssyncset.s32 $0xFFFFF086  }
0x25: {  	[simem:s6], [sflag:s4] =	dma.local [hbm:s3], $0xF7A  }
0x26: {  	[smem:$0x3F9B] =	sst s1;
	(tag) =	ssettag s2;
	_ =	strace s9  }
0x27: {  	s1 =	sld [smem:$0x3FAB]  }
0x28: {  	s2 =	sld [smem:$0x3FAC]  }
0x29: {  	s4 =	sld [smem:$0x3FAE]  }
0x2a: {  	p0 =	seq.s32 s5, $0x0;
	s5 =	sld [smem:$0x3FAF]  }
0x2b: {  	s6 =	sld [smem:$0x3FB0]  }
0x2c: {  	s7 =	sld [smem:$0x3FB1]  }
0x2d: {  	s3 =	simm.s32 $0x108;
	s8 =	sld [smem:$0x3FB2]  }
0x2e: {  	s3 =	simm.s32 @!p0 $0x1082;
	s9 =	sld [smem:$0x3FB3]  }
0x2f: {  	lr =	sadd.s32 s0, s3;
	s0 =	sld [smem:$0x3FAA]  }
0x30: {  	s3 =	sld [smem:$0x3FAD]  }
0x31: {  	[smem:$0x3FB6] =	sst s10  }
0x32: {  	s10 =	sld [smem:$0x3FB4];
	_ =	sdelay $0x3  }
0x33: {  	p0 =	seq.s32 s10, $0x1;
	s10 =	sld [smem:$0x3FB6];
	_ =	sdelay $0x3  }
0x34: {  	[smem:$0x3FB6] =	sst s10  }
0x35: {  	s10 =	sld [smem:$0x3FB5];
	_ =	sdelay $0x3  }
0x36: {  	p1 =	seq.s32 s10, $0x1;
	s10 =	sld [smem:$0x3FB6];
	_ =	sdelay $0x3  }
0x37: {  	[smem:$0x3FB6] =	sst s10  }
0x38: {  	s10 =	sld [smem:$0x3FB7]  }
0x39: {  	_ = 	snop;
	(pc) =	sbr.ind lr, $3  }
0x3a: {  	_ = 	snop  }
0x3b: {  	_ = 	snop  }
0x3c: {  	p2 =	seq.s32 s10, $0x1;
	s10 =	sld [smem:$0x3FB6]  }
0x3d: {  	_ =	shalt  }
0x3e: {  	_ =	shalt  }
0x3f: {  	_ =	shalt  }
0x40: {  	_ =	shalt  }
0x41: {  	_ =	shalt  }
0x42: {  	_ =	shalt  }
0x43: {  	_ =	shalt  }
0x44: {  	_ =	shalt  }
0x45: {  	_ =	shalt  }
0x46: {  	_ =	shalt  }
0x47: {  	_ =	shalt  }
0x48: {  	_ =	shalt  }
0x49: {  	_ =	shalt  }
0x4a: {  	_ =	shalt  }
0x4b: {  	_ =	shalt  }
0x4c: {  	_ =	shalt  }
0x4d: {  	_ =	shalt  }
0x4e: {  	_ =	shalt  }
0x4f: {  	_ =	shalt  }
0x50: {  	_ =	shalt  }
0x51: {  	_ =	shalt  }
0x52: {  	_ =	shalt  }
0x53: {  	_ =	shalt  }
0x54: {  	_ =	shalt  }
0x55: {  	_ =	shalt  }
0x56: {  	_ =	shalt  }
0x57: {  	_ =	shalt  }
0x58: {  	_ =	shalt  }
0x59: {  	_ =	shalt  }
0x5a: {  	_ =	shalt  }
0x5b: {  	_ =	shalt  }
0x5c: {  	_ =	shalt  }
0x5d: {  	_ =	shalt  }
0x5e: {  	_ =	shalt  }
0x5f: {  	_ =	shalt  }
0x60: {  	_ =	shalt  }
0x61: {  	_ =	shalt  }
0x62: {  	_ =	shalt  }
0x63: {  	_ =	shalt  }
0x64: {  	_ =	shalt  }
0x65: {  	_ =	shalt  }
0x66: {  	_ =	shalt  }
0x67: {  	_ =	shalt  }
0x68: {  	_ =	shalt  }
0x69: {  	_ =	shalt  }
0x6a: {  	_ =	shalt  }
0x6b: {  	_ =	shalt  }
0x6c: {  	_ =	shalt  }
0x6d: {  	_ =	shalt  }
0x6e: {  	_ =	shalt  }
0x6f: {  	_ =	shalt  }
0x70: {  	_ =	shalt  }
0x71: {  	_ =	shalt  }
0x72: {  	_ =	shalt  }
0x73: {  	_ =	shalt  }
0x74: {  	_ =	shalt  }
0x75: {  	_ =	shalt  }
0x76: {  	_ =	shalt  }
0x77: {  	_ =	shalt  }
0x78: {  	_ =	shalt  }
0x79: {  	_ =	shalt  }
0x7a: {  	_ =	shalt  }
0x7b: {  	_ =	shalt  }
0x7c: {  	_ =	shalt  }
0x7d: {  	_ =	shalt  }
0x7e: {  	_ =	shalt  }
0x7f: {  	_ =	shalt  }
0x80: {  	_ =	shalt  }
0x81: {  	_ =	shalt  }
0x82: {  	_ =	shalt  }
0x83: {  	_ =	shalt  }
0x84: {  	_ =	shalt  }
0x85: {  	_ =	shalt  }
0x86: {  	_ =	shalt  }
0x87: {  	_ =	shalt  }
.Lfunc_end0:
.L_simem_size_0:
called_computation.1_lowered:
.L_overlay_start_0:
0x88: {  	s2 =	sld [smem:$0x3FD9]  }
0x89: {  	s3 =	sld [smem:$0x3FFE];
	_ =	sdelay $0x1  }
0x8a: {  	s1 =	srdreg.scid  }
0x8b: {  	s0 =	sand.u32 $0x1, s1  }
0x8c: {  	s16 =	sshll.u32 s0, $0xA;
	s2 =	sadd.s32 s3, s2  }
0x8d: {  	s2 =	sadd.s32 s2, s16  }
0x8e: {  	[smem:$0x3FC2] =	sst s2  }
0x8f: {  	_ = 	snop  }
0x90: {  	(tm) =	ssettm $0x1  }
0x91: {  	s17 =	sld [smem:$0x3FFB];
	_ =	sdelay $0x3  }
0x92: {  	_ =	strace s17  }
0x93: {  	s2 =	sld [smem:$0x3FFC];
	_ =	sdelay $0x3  }
0x94: {  	_ =	strace s2  }
0x95: {  	s2 =	sld [smem:$0x3FFD];
	_ =	sdelay $0x3  }
0x96: {  	_ =	strace s2  }
0x97: {  	_ =	strace $0x8FFFFFFF  }
0x98: {  	s18 =	sld [smem:$0x3FDB];
	_ =	sdelay $0x1  }
0x99: {  	s19 =	simm.s32 $_scs_section_size  }
0x9a: {  	s4 =	simm.s32 $_size__tile_overlayer_lowered;
	s5 =	simm.s32 $_tile_overlayer_lowered  }
0x9b: {  	s22 =	simm.s32 $0x1BFF;
	s21 =	sshll.u32 s5, $0x1;
	s2 =	sadd.s32 s19, s18  }
0x9c: {  	s6 =	simm.s32 $0x0;
	s20 =	sshll.u32 s4, $0x1;
	s4 =	sadd.s32 s21, s2  }
0x9d: {  	[timem:s6], [sflag:s22] =	dma.local [hbm:s4], s20  }
0x9e: {  	_ =	swait.ge [sflag:s22], s20  }
0x9f: {  	s3 =	ssub.s32 $0x0, s20;
	[sflag:s22] =	ssyncset.done $0x0  }
0xa0: {  	[sflag:s22] =	ssyncadd.s32 s3;
	_ =	sdelay $0x1  }
0xa1: {  	s23 =	simm.s32 $0x1B8B  }
0xa2: {  	_ =	swait.ge [sflag:s23], $0x1  }
0xa3: {  	[sflag:s23] =	ssyncset.done $0x0  }
0xa4: {  	s25 =	simm.s32 $0x1B8E;
	s24 =	sld [smem:$0x3FFE];
	[sflag:s23] =	ssyncadd.s32 $0xFFFFFFFF  }
0xa5: {  	s26 =	simm.s32 $execute0_lowered;
	[smem:$0x3FD2] =	sst s25  }
0xa6: {  	s4 =	sshll.u32 s26, $0x1;
	_ =	strace $0x80000049;
	[dreg:$0x1] =	wrdreg $0xFFFFFFFF  }
0xa7: {  	s28 =	simm.s32 $_size_execute0_lowered;
	s2 =	sadd.s32 s2, s4;
	[dreg:$0x0] =	wrdreg $0x0  }
0xa8: {  	s4 =	sshll.u32 s28, $0x1;
	[dreg:$0x2] =	wrdreg s2  }
0xa9: {  	[dreg:$0x3] =	wrdreg s4  }
0xaa: {  	[dreg:$0x4] =	wrdreg $0xC0  }
0xab: {  	_ =	task [dreg:s6], $0x5FFFF  }
0xac: {  	[dreg:$0x1] =	wrdreg $0xFFFFFFFF  }
0xad: {  	[dreg:$0x0] =	wrdreg $0x60  }
0xae: {  	[dreg:$0x2] =	wrdreg s24  }
0xaf: {  	[dreg:$0x3] =	wrdreg $0xB7800  }
0xb0: {  	[dreg:$0x4] =	wrdreg $0x9  }
0xb1: {  	_ =	task.clear_ibuf [dreg:s6], $0x5FFFF;
	_ =	strace $0x90000049  }
0xb2: {  	s29 =	simm.s32 $0x9;
	_ =	strace $0x8000004B  }
0xb3: {  	_ =	swait.ge [sflag:s29], $0x1  }
0xb4: {  	[sflag:s29] =	ssyncadd.s32 $0xFFFFFFFF  }
0xb5: {  	_ =	strace $0x9000004B  }
0xb6: {  	_ =	sfence  }
0xb7: {  	s30 =	sld [smem:$0x0];
	_ =	sdelay $0x2  }
0xb8: {  	s31 =	sshll.u32 s1, $0xD;
	s1 =	sshrl.u32 s1, $0x2  }
0xb9: {  	s3 =	sand.u32 $0x4000, s31;
	s1 =	sadd.s32 s1, s30  }
0xba: {  	s0 =	sor.u32 s3, s0;
	s1 =	sshll.u32 s1, $0x11  }
0xbb: {  	s0 =	sor.u32 s1, s0  }
0xbc: {  	s0 =	sadd.s32 $0x8F2B, s0  }
0xbd: {  	[sflag:s0] =	ssyncadd.remote.s32 $0x1  }
0xbe: {  	_ =	sfence.sel $0xFFFF  }
0xbf: {  	[dreg:$0x0] =	wrdreg $0xFFFFFFFF;
	(pc) =	sbr.abs _section_cstart, $3  }
0xc0: {  	[dreg:$0x1] =	wrdreg $0xFFFFFFFF  }
0xc1: {  	_ =	task.clear_ibuf [dreg:s6], $0x2FFFF;
	_ =	strace $0x9FFFFFFF  }
0xc2: {  	(tm) =	ssettm $0x7FFFFFFF  }
0xc3: {  	_ =	shalt  }
tec
execute0_lowered:
.L_overlay_start_1:
0x0: {  	(tag) =	ssettag $0x1  }
0x1: {  	s6 =	rddreg [dreg:$0x0]  }
0x2: {  	s0 =	srdreg.scid;
	s2 =	rddreg [dreg:$0x1]  }
0x3: {  	s30 =	stileid.u32;
	s3 =	simm.s32 $0x0;
	s18 =	simm.s32 $0x3  }
0x4: {  	s19 =	simm.s32 $0x6780;
	s20 =	simm.s32 $0x1;
	s21 =	simm.s32 $0x50  }
0x5: {  	s22 =	simm.s32 $0x6580;
	s23 =	simm.s32 $0x4;
	s24 =	simm.s32 $0x0  }
0x6: {  	s7 =	sand.u32 $0x1, s0;
	[smem:$0x7FF] =	sst s3;
	s10 =	smul.u32 $0x14000, s30  }
0x7: {  	s12 =	smul.u32 $0x50000, s30;
	s4 =	sshll.u32 s7, $0x4;
	_ =	strace $0x8000004A  }
0x8: {  	s9 =	smul.u32 $0x140000, s7;
	s7 =	ssub.s32 $0x2, s7;
	s5 =	sor.u32 s30, s4  }
0x9: {  	s4 =	sadd.s32 $0x6EC00, s6;
	s31 =	sshrl.u32 s7, $0x1;
	s12 =	sshrl.u32 s12, $0x2  }
0xa: {  	s8 =	smul.u32 $0x4E2, s5;
	s5 =	sshll.u32 s5, $0xB;
	s9 =	sadd.s32 s10, s9  }
0xb: {  	s17 =	ssub.s32 s7, s31;
	s11 =	sadd.s32 s5, s6;
	s5 =	sadd.s32 $0x2000, s6  }
0xc: {  	s9 =	sshrl.u32 s9, $0x3;
	s17 =	smax.u32 s17, $0x1;
	s8 =	sadd.s32 s8, s6  }
0xd: {  	s16 =	sadd.s32 s9, s6;
	s6 =	sadd.s32 s12, s2;
	s7 =	sadd.s32 $0x54E00, s8  }
0xe: {  	s8 =	sadd.s32 $0x5EC00, s11;
	s9 =	sadd.s32 $0x2800, s6;
	s10 =	sadd.s32 $0x5000, s6  }
0xf: {  	s11 =	sadd.s32 $0x7800, s6;
	s12 =	sadd.s32 $0xA000, s6;
	s13 =	sadd.s32 $0xC800, s6  }
0x10: {  	s14 =	sadd.s32 $0xF000, s6;
	s15 =	sadd.s32 $0x11800, s6;
	s16 =	sadd.s32 $0x96C00, s16  }
.LBB2_1:
0x11: {  	[tilespmem:s3], [sflag:$0x3] =	stream.linear.gather [hbm4b:s7+s3], $0x2710, $0x38;
	[tilespmem:$0x1F780] =	vst v63  }
0x12: {  	_ =	swait.ge [sflag:s18], $0x2710  }
0x13: {  	[sflag:s18] =	ssyncset.done $0x0  }
0x14: {  	s25 =	simm.s32 $0x2780;
	[sflag:s18] =	ssyncadd.s32 $0xFFFFD8F0  }
0x15: {  	[tilespmem:s25], [sflag:$0x3] =	stream.linear.gather [hbm4b:s8+s3], $0x3E80, $0x38;
	[tilespmem:$0x1F780] =	vst v63  }
0x16: {  	_ =	swait.ge [sflag:s18], $0x3E80  }
0x17: {  	[sflag:s18] =	ssyncset.done $0x0  }
0x18: {  	[sflag:s18] =	ssyncadd.s32 $0xFFFFC180  }
0x19: {  	[tilespmem:s19], [sflag:$0x3] =	stream.linear.gather [hbm4b:s5+s3], $0x2800, $0x38;
	[tilespmem:$0x1F780] =	vst v63  }
0x1a: {  	_ =	swait.ge [sflag:s18], $0x2800  }
0x1b: {  	[sflag:s18] =	ssyncset.done $0x0  }
0x1c: {  	[sflag:s18] =	ssyncadd.s32 $0xFFFFD800  }
0x1d: {  	[spmem:s6] =	stream.linear.scatter [tilespmem:s19], [sflag:$0x3], $0x2800, $0x38;
	[tilespmem:$0x1F780] =	vst v63  }
0x1e: {  	_ =	swait.ge [sflag:s18], $0x2800  }
0x1f: {  	[sflag:s18] =	ssyncset.done $0x0  }
0x20: {  	[sflag:s18] =	ssyncadd.s32 $0xFFFFD800  }
0x21: {  	[spmem:s9] =	stream.linear.scatter [tilespmem:s19], [sflag:$0x3], $0x2800, $0x38;
	[tilespmem:$0x1F780] =	vst v63  }
0x22: {  	_ =	swait.ge [sflag:s18], $0x2800  }
0x23: {  	[sflag:s18] =	ssyncset.done $0x0  }
0x24: {  	[sflag:s18] =	ssyncadd.s32 $0xFFFFD800  }
0x25: {  	[spmem:s10] =	stream.linear.scatter [tilespmem:s19], [sflag:$0x3], $0x2800, $0x38;
	[tilespmem:$0x1F780] =	vst v63  }
0x26: {  	_ =	swait.ge [sflag:s18], $0x2800  }
0x27: {  	[sflag:s18] =	ssyncset.done $0x0  }
0x28: {  	[sflag:s18] =	ssyncadd.s32 $0xFFFFD800  }
0x29: {  	[spmem:s11] =	stream.linear.scatter [tilespmem:s19], [sflag:$0x3], $0x2800, $0x38;
	[tilespmem:$0x1F780] =	vst v63  }
0x2a: {  	_ =	swait.ge [sflag:s18], $0x2800  }
0x2b: {  	[sflag:s18] =	ssyncset.done $0x0  }
0x2c: {  	[sflag:s18] =	ssyncadd.s32 $0xFFFFD800  }
0x2d: {  	[spmem:s12] =	stream.linear.scatter [tilespmem:s19], [sflag:$0x3], $0x2800, $0x38;
	[tilespmem:$0x1F780] =	vst v63  }
0x2e: {  	_ =	swait.ge [sflag:s18], $0x2800  }
0x2f: {  	[sflag:s18] =	ssyncset.done $0x0  }
0x30: {  	[sflag:s18] =	ssyncadd.s32 $0xFFFFD800  }
0x31: {  	[spmem:s13] =	stream.linear.scatter [tilespmem:s19], [sflag:$0x3], $0x2800, $0x38;
	[tilespmem:$0x1F780] =	vst v63  }
0x32: {  	_ =	swait.ge [sflag:s18], $0x2800  }
0x33: {  	[sflag:s18] =	ssyncset.done $0x0  }
0x34: {  	[sflag:s18] =	ssyncadd.s32 $0xFFFFD800  }
0x35: {  	[spmem:s14] =	stream.linear.scatter [tilespmem:s19], [sflag:$0x3], $0x2800, $0x38;
	[tilespmem:$0x1F780] =	vst v63  }
0x36: {  	_ =	swait.ge [sflag:s18], $0x2800  }
0x37: {  	[sflag:s18] =	ssyncset.done $0x0  }
0x38: {  	[sflag:s18] =	ssyncadd.s32 $0xFFFFD800  }
0x39: {  	[spmem:s15] =	stream.linear.scatter [tilespmem:s19], [sflag:$0x3], $0x2800, $0x38;
	[tilespmem:$0x1F780] =	vst v63  }
0x3a: {  	_ =	swait.ge [sflag:s18], $0x2800  }
0x3b: {  	[sflag:s18] =	ssyncset.done $0x0  }
0x3c: {  	s26 =	sand.u32 $0x1, s3;
	[sflag:s18] =	ssyncadd.s32 $0xFFFFD800  }
0x3d: {  	p0 =	seq.s32 s26, $0x1;
	[bflag:$0x0] =	sbarrier.arrive $0xFFFF  }
0x3e: {  	[tilespmem:s19], [sflag:$0x1] =	stream.indirect.gather [hbm4b:s4+s21], $0x80, s3, s21, $0xb8;
	[tilespmem:$0x1F780] =	vst v63  }
0x3f: {  	s26 =	simm.s32 @p0 $0x50;
	s28 =	simm.s32 @p0 $0x6780;
	s29 =	simm.s32 @p0 $0x2  }
0x40: {  	[tilespmem:s28], [sflag:$0x1] =	stream.indirect.gather @p0 [hbm4b:s4+s26], $0x80, s21, s26, $0xb8;
	[tilespmem:$0x1F780] =	vst v63  }
0x41: {  	_ =	swait.ge @p0 [sflag:s29], $0x2800  }
0x42: {  	[sflag:s29] =	ssyncset.done @p0 $0x0  }
0x43: {  	s28 =	simm.s32 @p0 $0x8F80;
	[sflag:s29] =	ssyncadd.s32 @p0 $0xFFFFD800  }
0x44: {  	[spmem:s2] =	stream.indirect.scatter.add.f32 @p0 [tilespmem:s28], [sflag:$0x3], $0x80, s25, s26, $0xb8;
	[tilespmem:$0x1F780] =	vst v63  }
0x45: {  	s30 =	simm.s32 @!p0 $0x1;
	s26 =	simm.s32 @!p0 $0x50;
	s28 =	simm.s32 @!p0 $0x8F80  }
0x46: {  	[tilespmem:s28], [sflag:$0x2] =	stream.indirect.gather @!p0 [hbm4b:s4+s26], $0x80, s21, s26, $0xb8;
	[tilespmem:$0x1F780] =	vst v63  }
0x47: {  	_ =	swait.ge @!p0 [sflag:s30], $0x2800  }
0x48: {  	s31 =	simm.s32 $0x1;
	s29 =	simm.s32 @!p0 $0x4;
	[sflag:s30] =	ssyncset.done @!p0 $0x0  }
0x49: {  	s29 =	simm.s32 @p0 $0x3;
	s28 =	simm.s32 @!p0 $0x6780;
	[sflag:s30] =	ssyncadd.s32 @!p0 $0xFFFFD800  }
0x4a: {  	[spmem:s2] =	stream.indirect.scatter.add.f32 @!p0 [tilespmem:s28], [sflag:$0x4], $0x80, s25, s26, $0xb8;
	[tilespmem:$0x1F780] =	vst v63  }
0x4b: {  	s30 =	sand.u32 $0x1, s31;
	s28 =	simm.s32 $0x2;
	_ =	swait.ge [sflag:s29], $0x2800  }
0x4c: {  	s25 =	simm.s32 $0x2800;
	s26 =	simm.s32 $0xA0;
	[sflag:s29] =	ssyncset.done $0x0  }
.LBB2_2:
0x4d: {  	p0 =	seq.s32 s30, $0x1  }
0x4e: {  	[sflag:s29] =	ssyncadd.s32 $0xFFFFD800;
	s30 =	smov.u32 s28;
	s28 =	sadd.s32 $0x1, s28  }
0x4f: {  	s31 =	simm.s32 @p0 $0x50;
	s29 =	simm.s32 @p0 $0x6780;
	s0 =	simm.s32 @p0 $0x2  }
0x50: {  	[tilespmem:s29], [sflag:$0x1] =	stream.indirect.gather @p0 [hbm4b:s4+s31], $0x80, s26, s31, $0xb8;
	[tilespmem:$0x1F780] =	vst v63  }
0x51: {  	p1 =	sne.s32 s28, $0x7C;
	s29 =	simm.s32 @!p0 $0x4;
	_ =	swait.ge @p0 [sflag:s0], $0x2800  }
0x52: {  	[sflag:s0] =	ssyncset.done @p0 $0x0  }
0x53: {  	[sflag:s0] =	ssyncadd.s32 @p0 $0xFFFFD800;
	s0 =	simm.s32 @p0 $0x8F80  }
0x54: {  	[spmem:s2] =	stream.indirect.scatter.add.f32 @p0 [tilespmem:s0], [sflag:$0x3], $0x80, s25, s31, $0xb8;
	[tilespmem:$0x1F780] =	vst v63  }
0x55: {  	s1 =	simm.s32 @!p0 $0x1;
	s0 =	simm.s32 @!p0 $0x50;
	s31 =	simm.s32 @!p0 $0x8F80  }
0x56: {  	[tilespmem:s31], [sflag:$0x2] =	stream.indirect.gather @!p0 [hbm4b:s4+s0], $0x80, s26, s0, $0xb8;
	[tilespmem:$0x1F780] =	vst v63  }
0x57: {  	_ =	swait.ge @!p0 [sflag:s1], $0x2800  }
.Ltmp0:
0x58: {  	[sflag:s1] =	ssyncset.done @!p0 $0x0;
	(pc) =	sbr.rel @p1 .LBB2_2-.Ltmp0, $4  }
0x59: {  	s29 =	simm.s32 @p0 $0x3;
	[sflag:s1] =	ssyncadd.s32 @!p0 $0xFFFFD800;
	s1 =	simm.s32 @!p0 $0x6780  }
0x5a: {  	[spmem:s2] =	stream.indirect.scatter.add.f32 @!p0 [tilespmem:s1], [sflag:$0x4], $0x80, s25, s0, $0xb8;
	[tilespmem:$0x1F780] =	vst v63  }
0x5b: {  	s25 =	sadd.s32 $0x80, s25;
	_ =	swait.ge [sflag:s29], $0x2800  }
0x5c: {  	s30 =	sand.u32 $0x1, s30;
	s26 =	sadd.s32 $0x50, s26;
	[sflag:s29] =	ssyncset.done $0x0  }
0x5d: {  	p0 =	seq.s32 s30, $0x1;
	[sflag:s29] =	ssyncadd.s32 $0xFFFFD800  }
0x5e: {  	s0 =	simm.s32 @p0 $0x50;
	s1 =	simm.s32 @p0 $0x6780;
	s28 =	simm.s32 @p0 $0x2  }
0x5f: {  	[tilespmem:s1], [sflag:$0x1] =	stream.indirect.gather @p0 [hbm4b:s4+s0], $0x80, s26, s0, $0xb8;
	[tilespmem:$0x1F780] =	vst v63  }
0x60: {  	_ =	swait.ge @p0 [sflag:s28], $0x2800  }
0x61: {  	[sflag:s28] =	ssyncset.done @p0 $0x0  }
0x62: {  	s1 =	simm.s32 @p0 $0x8F80;
	[sflag:s28] =	ssyncadd.s32 @p0 $0xFFFFD800  }
0x63: {  	[spmem:s2] =	stream.indirect.scatter.add.f32 @p0 [tilespmem:s1], [sflag:$0x3], $0x80, s25, s0, $0xb8;
	[tilespmem:$0x1F780] =	vst v63  }
0x64: {  	s28 =	simm.s32 @!p0 $0x1;
	s0 =	simm.s32 @!p0 $0x50;
	s1 =	simm.s32 @!p0 $0x8F80  }
0x65: {  	[tilespmem:s1], [sflag:$0x2] =	stream.indirect.gather @!p0 [hbm4b:s4+s0], $0x80, s26, s0, $0xb8;
	[tilespmem:$0x1F780] =	vst v63  }
0x66: {  	_ =	swait.ge @!p0 [sflag:s28], $0x2800  }
0x67: {  	s1 =	simm.s32 @!p0 $0x4;
	[sflag:s28] =	ssyncset.done @!p0 $0x0  }
0x68: {  	s26 =	simm.s32 @!p0 $0x6780;
	s1 =	simm.s32 @p0 $0x3;
	[sflag:s28] =	ssyncadd.s32 @!p0 $0xFFFFD800  }
0x69: {  	[spmem:s2] =	stream.indirect.scatter.add.f32 @!p0 [tilespmem:s26], [sflag:$0x4], $0x80, s25, s0, $0xb8;
	[tilespmem:$0x1F780] =	vst v63  }
0x6a: {  	_ =	swait.ge [sflag:s1], $0x2800  }
0x6b: {  	[sflag:s1] =	ssyncset.done $0x0  }
0x6c: {  	[sflag:s1] =	ssyncadd.s32 $0xFFFFD800  }
0x6d: {  	_ =	swait.ge [sflag:s20], $0x2800  }
0x6e: {  	[sflag:s20] =	ssyncset.done $0x0  }
0x6f: {  	[sflag:s20] =	ssyncadd.s32 $0xFFFFD800  }
0x70: {  	[spmem:s2] =	stream.indirect.scatter.add.f32 [tilespmem:s19], [sflag:$0x4], $0x80, s22, s21, $0xb8;
	[tilespmem:$0x1F780] =	vst v63  }
0x71: {  	s30 =	stileid.u32;
	_ =	swait.ge [sflag:s23], $0x2800  }
0x72: {  	s31 =	sshrl.u32 s6, $0x3;
	s24 =	sadd.s32 $0x1, s24;
	[sflag:s23] =	ssyncset.done $0x0  }
0x73: {  	s0 =	sshll.u32 s30, $0x6;
	p0 =	sne.s32 s24, s17;
	[sflag:s23] =	ssyncadd.s32 $0xFFFFD800  }
.Ltmp1:
0x74: {  	s0 =	sor.u32 $0x1C03, s0;
	[bflag:$0x0] =	sbarrier.arrive $0xFFFF;
	(pc) =	sbr.rel @p0 .LBB2_1-.Ltmp1, $4  }
0x75: {  	[hbm:s16], [sflag:s0] =	dma.local [spmem:s31], $0x2800  }
0x76: {  	_ =	swait.ge [sflag:s18], $0x2800  }
0x77: {  	[sflag:s18] =	ssyncset.done $0x0  }
0x78: {  	[sflag:s18] =	ssyncadd.s32 $0xFFFFD800  }
0x79: {  	_ =	sfence.sel $0x180000  }
0x7a: {  	[bflag:$0x0] =	sbarrier.arrive $0xFFFF  }
0x7b: {  	_ =	strace $0x9000004A  }
0x7c: {  	s0 =	stileid.u32;
	[bflag:$0x2] =	sbarrier.arrive $0xFFFF  }
0x7d: {  	p0 =	sne.s32 s0, $0x0;
	s0 =	rddreg [dreg:$0x2]  }
0x7e: {  	s0 =	sadd.s32 @!p0 $0x100000, s0  }
0x7f: {  	[sflag:s0] =	ssyncadd.tile.s32 @!p0 $0x1;
	_ =	shalt  }
.Lfunc_end2:
_tile_overlayer_lowered:
.L_overlay_start_2:
0x80: {  	(tag) =	ssettag $0x2  }
0x81: {  	s0 =	rddreg [dreg:$0x0];
	s2 =	stileid.u32  }
0x82: {  	s1 =	rddreg [dreg:$0x1];
	p0 =	sne.s32 s2, $0x0  }
0x83: {  	s3 =	rddreg [dreg:$0x2];
	[bflag:$0x3] =	sbarrier.arrive $0xFFFF;
	s2 =	simm.s32 @!p0 $0x1C03  }
0x84: {  	[timem:s3], [sflag:s2] =	dma.local @!p0 [hbm:s0], s1  }
0x85: {  	s0 =	simm.s32 @!p0 $0x3  }
0x86: {  	_ =	swait.ge @!p0 [sflag:s0], s1  }
0x87: {  	s1 =	ssub.s32 @!p0 $0x0, s1;
	[sflag:s0] =	ssyncset.done @!p0 $0x0  }
0x88: {  	[sflag:s0] =	ssyncadd.s32 @!p0 s1  }
0x89: {  	[bflag:$0x3] =	sbarrier.arrive $0xFFFF  }
0x8a: {  	_ =	shalt  }

// kernel: kernel.15.cloned.1.call-start
scs
__scs_entry_jumppad:
0x0: {  	(pc) =	sbr.rel $0x88, $3  }
0x1: {  	(tag) =	ssettag $0x0;
	lr =	simm.s32 $0x1  }
0x2: {  	[smem:$0x3F9B] =	sst lr;
	_ =	strace $0xD0000000  }
0x3: {  	_ = 	snop  }
0x4: {  	_ = 	snop  }
0x5: {  	_ = 	snop  }
0x6: {  	_ = 	snop  }
0x7: {  	_ = 	snop  }
__scs_overlays_trampoline_lowered:
0x8: {  	[smem:$0x3FAA] =	sst s0  }
0x9: {  	[smem:$0x3FAB] =	sst s1  }
0xa: {  	[smem:$0x3FAC] =	sst s2  }
0xb: {  	[smem:$0x3FAD] =	sst s3  }
0xc: {  	[smem:$0x3FAE] =	sst s4  }
0xd: {  	[smem:$0x3FAF] =	sst s5  }
0xe: {  	[smem:$0x3FB0] =	sst s6  }
0xf: {  	[smem:$0x3FB1] =	sst s7  }
0x10: {  	[smem:$0x3FB2] =	sst s8  }
0x11: {  	[smem:$0x3FB3] =	sst s9;
	s0 =	simm.s32 @!p0 $0x0  }
0x12: {  	s1 =	sld [smem:$0x3F99];
	s0 =	simm.s32 @p0 $0x1  }
0x13: {  	[smem:$0x3FB4] =	sst s0;
	s0 =	simm.s32 @!p1 $0x0  }
0x14: {  	s2 =	sld [smem:$0x3F98];
	s0 =	simm.s32 @p1 $0x1  }
0x15: {  	[smem:$0x3FB5] =	sst s0;
	s0 =	simm.s32 @!p2 $0x0  }
0x16: {  	s3 =	sld [smem:$0x3FDB];
	s0 =	simm.s32 @p2 $0x1  }
0x17: {  	s4 =	simm.s32 $0x1BF5;
	[smem:$0x3FB7] =	sst s0  }
0x18: {  	s0 =	sld [smem:$0x3F9A];
	_ =	swait.ge [sflag:s4], $0x0  }
0x19: {  	s7 =	sld [smem:$0x3F9B]  }
0x1a: {  	s8 =	sadd.s32 $0xFFFFE003, lr  }
0x1b: {  	s9 =	sadd.s32 $0xFFFFFEF7, lr;
	s5 =	simm.s32 $0xFFFFFFFF;
	p2 =	slt.u32 s8, $0xFFFFF086  }
0x1c: {  	p1 =	slt.u32 s9, $0xF7A;
	s5 =	simm.s32 @!p2 $0x0  }
0x1d: {  	s5 =	simm.s32 @p1 $0x1;
	p0 =	seq.s32 s7, s2  }
0x1e: {  	s7 =	smul.u32 @!p0 $0xF7A, s2;
	p2 =	seq.s32 @!p0 s5, $0x0  }
0x1f: {  	s9 =	smul.u32 $0xF7A, s1;
	s8 =	simm.s32 @!p0 $0x1BF5;
	p2 =	por !p2, p0  }
0x20: {  	[sflag:s8] =	ssyncset.s32 @!p0 $0xFFFFF086;
	s6 =	sadd.s32 @!p0 s3, s7;
	s7 =	simm.s32 @!p0 $0x108  }
0x21: {  	s3 =	sadd.s32 s3, s9;
	s6 =	sadd.s32 @!p0 $0x88, s6;
	s7 =	simm.s32 @p2 $0x1082  }
0x22: {  	[simem:s7], [sflag:s8] =	dma.local @!p0 [hbm:s6], $0xF7A  }
0x23: {  	s9 =	sor.u32 $0xD0000000, s2;
	s6 =	simm.s32 $0x108;
	_ =	swait.ge @!p0 [sflag:s8], $0x0  }
0x24: {  	s3 =	sadd.s32 $0x88, s3;
	s6 =	simm.s32 @!p1 $0x1082;
	[sflag:s4] =	ssyncset.s32 $0xFFFFF086  }
0x25: {  	[simem:s6], [sflag:s4] =	dma.local [hbm:s3], $0xF7A  }
0x26: {  	[smem:$0x3F9B] =	sst s1;
	(tag) =	ssettag s2;
	_ =	strace s9  }
0x27: {  	s1 =	sld [smem:$0x3FAB]  }
0x28: {  	s2 =	sld [smem:$0x3FAC]  }
0x29: {  	s4 =	sld [smem:$0x3FAE]  }
0x2a: {  	p0 =	seq.s32 s5, $0x0;
	s5 =	sld [smem:$0x3FAF]  }
0x2b: {  	s6 =	sld [smem:$0x3FB0]  }
0x2c: {  	s7 =	sld [smem:$0x3FB1]  }
0x2d: {  	s3 =	simm.s32 $0x108;
	s8 =	sld [smem:$0x3FB2]  }
0x2e: {  	s3 =	simm.s32 @!p0 $0x1082;
	s9 =	sld [smem:$0x3FB3]  }
0x2f: {  	lr =	sadd.s32 s0, s3;
	s0 =	sld [smem:$0x3FAA]  }
0x30: {  	s3 =	sld [smem:$0x3FAD]  }
0x31: {  	[smem:$0x3FB6] =	sst s10  }
0x32: {  	s10 =	sld [smem:$0x3FB4];
	_ =	sdelay $0x3  }
0x33: {  	p0 =	seq.s32 s10, $0x1;
	s10 =	sld [smem:$0x3FB6];
	_ =	sdelay $0x3  }
0x34: {  	[smem:$0x3FB6] =	sst s10  }
0x35: {  	s10 =	sld [smem:$0x3FB5];
	_ =	sdelay $0x3  }
0x36: {  	p1 =	seq.s32 s10, $0x1;
	s10 =	sld [smem:$0x3FB6];
	_ =	sdelay $0x3  }
0x37: {  	[smem:$0x3FB6] =	sst s10  }
0x38: {  	s10 =	sld [smem:$0x3FB7]  }
0x39: {  	_ = 	snop;
	(pc) =	sbr.ind lr, $3  }
0x3a: {  	_ = 	snop  }
0x3b: {  	_ = 	snop  }
0x3c: {  	p2 =	seq.s32 s10, $0x1;
	s10 =	sld [smem:$0x3FB6]  }
0x3d: {  	_ =	shalt  }
0x3e: {  	_ =	shalt  }
0x3f: {  	_ =	shalt  }
0x40: {  	_ =	shalt  }
0x41: {  	_ =	shalt  }
0x42: {  	_ =	shalt  }
0x43: {  	_ =	shalt  }
0x44: {  	_ =	shalt  }
0x45: {  	_ =	shalt  }
0x46: {  	_ =	shalt  }
0x47: {  	_ =	shalt  }
0x48: {  	_ =	shalt  }
0x49: {  	_ =	shalt  }
0x4a: {  	_ =	shalt  }
0x4b: {  	_ =	shalt  }
0x4c: {  	_ =	shalt  }
0x4d: {  	_ =	shalt  }
0x4e: {  	_ =	shalt  }
0x4f: {  	_ =	shalt  }
0x50: {  	_ =	shalt  }
0x51: {  	_ =	shalt  }
0x52: {  	_ =	shalt  }
0x53: {  	_ =	shalt  }
0x54: {  	_ =	shalt  }
0x55: {  	_ =	shalt  }
0x56: {  	_ =	shalt  }
0x57: {  	_ =	shalt  }
0x58: {  	_ =	shalt  }
0x59: {  	_ =	shalt  }
0x5a: {  	_ =	shalt  }
0x5b: {  	_ =	shalt  }
0x5c: {  	_ =	shalt  }
0x5d: {  	_ =	shalt  }
0x5e: {  	_ =	shalt  }
0x5f: {  	_ =	shalt  }
0x60: {  	_ =	shalt  }
0x61: {  	_ =	shalt  }
0x62: {  	_ =	shalt  }
0x63: {  	_ =	shalt  }
0x64: {  	_ =	shalt  }
0x65: {  	_ =	shalt  }
0x66: {  	_ =	shalt  }
0x67: {  	_ =	shalt  }
0x68: {  	_ =	shalt  }
0x69: {  	_ =	shalt  }
0x6a: {  	_ =	shalt  }
0x6b: {  	_ =	shalt  }
0x6c: {  	_ =	shalt  }
0x6d: {  	_ =	shalt  }
0x6e: {  	_ =	shalt  }
0x6f: {  	_ =	shalt  }
0x70: {  	_ =	shalt  }
0x71: {  	_ =	shalt  }
0x72: {  	_ =	shalt  }
0x73: {  	_ =	shalt  }
0x74: {  	_ =	shalt  }
0x75: {  	_ =	shalt  }
0x76: {  	_ =	shalt  }
0x77: {  	_ =	shalt  }
0x78: {  	_ =	shalt  }
0x79: {  	_ =	shalt  }
0x7a: {  	_ =	shalt  }
0x7b: {  	_ =	shalt  }
0x7c: {  	_ =	shalt  }
0x7d: {  	_ =	shalt  }
0x7e: {  	_ =	shalt  }
0x7f: {  	_ =	shalt  }
0x80: {  	_ =	shalt  }
0x81: {  	_ =	shalt  }
0x82: {  	_ =	shalt  }
0x83: {  	_ =	shalt  }
0x84: {  	_ =	shalt  }
0x85: {  	_ =	shalt  }
0x86: {  	_ =	shalt  }
0x87: {  	_ =	shalt  }
.Lfunc_end0:
.L_simem_size_0:
called_computation.2_lowered:
.L_overlay_start_0:
0x88: {  	s2 =	sld [smem:$0x3FD9]  }
0x89: {  	s3 =	sld [smem:$0x3FFE];
	_ =	sdelay $0x1  }
0x8a: {  	s1 =	srdreg.scid  }
0x8b: {  	s0 =	sand.u32 $0x1, s1  }
0x8c: {  	s16 =	sshll.u32 s0, $0xA;
	s2 =	sadd.s32 s3, s2  }
0x8d: {  	s2 =	sadd.s32 s2, s16  }
0x8e: {  	[smem:$0x3FC2] =	sst s2  }
0x8f: {  	_ = 	snop  }
0x90: {  	(tm) =	ssettm $0x1  }
0x91: {  	s17 =	sld [smem:$0x3FFB];
	_ =	sdelay $0x3  }
0x92: {  	_ =	strace s17  }
0x93: {  	s2 =	sld [smem:$0x3FFC];
	_ =	sdelay $0x3  }
0x94: {  	_ =	strace s2  }
0x95: {  	s2 =	sld [smem:$0x3FFD];
	_ =	sdelay $0x3  }
0x96: {  	_ =	strace s2  }
0x97: {  	_ =	strace $0x8FFFFFFF  }
0x98: {  	s18 =	sld [smem:$0x3FDB];
	_ =	sdelay $0x1  }
0x99: {  	s19 =	simm.s32 $_scs_section_size  }
0x9a: {  	s4 =	simm.s32 $_size__tile_overlayer_lowered;
	s5 =	simm.s32 $_tile_overlayer_lowered  }
0x9b: {  	s22 =	simm.s32 $0x1BFF;
	s21 =	sshll.u32 s5, $0x1;
	s2 =	sadd.s32 s19, s18  }
0x9c: {  	s6 =	simm.s32 $0x0;
	s20 =	sshll.u32 s4, $0x1;
	s4 =	sadd.s32 s21, s2  }
0x9d: {  	[timem:s6], [sflag:s22] =	dma.local [hbm:s4], s20  }
0x9e: {  	_ =	swait.ge [sflag:s22], s20  }
0x9f: {  	s3 =	ssub.s32 $0x0, s20;
	[sflag:s22] =	ssyncset.done $0x0  }
0xa0: {  	[sflag:s22] =	ssyncadd.s32 s3;
	_ =	sdelay $0x1  }
0xa1: {  	s23 =	simm.s32 $0x1B8B  }
0xa2: {  	_ =	swait.ge [sflag:s23], $0x1  }
0xa3: {  	[sflag:s23] =	ssyncset.done $0x0  }
0xa4: {  	s25 =	simm.s32 $0x1B8E;
	s24 =	sld [smem:$0x3FFE];
	[sflag:s23] =	ssyncadd.s32 $0xFFFFFFFF  }
0xa5: {  	s26 =	simm.s32 $execute0_lowered;
	[smem:$0x3FD2] =	sst s25  }
0xa6: {  	s4 =	sshll.u32 s26, $0x1;
	_ =	strace $0x8000004C;
	[dreg:$0x1] =	wrdreg $0xFFFFFFFF  }
0xa7: {  	s28 =	simm.s32 $_size_execute0_lowered;
	s2 =	sadd.s32 s2, s4;
	[dreg:$0x0] =	wrdreg $0x0  }
0xa8: {  	s4 =	sshll.u32 s28, $0x1;
	[dreg:$0x2] =	wrdreg s2  }
0xa9: {  	[dreg:$0x3] =	wrdreg s4  }
0xaa: {  	[dreg:$0x4] =	wrdreg $0xC0  }
0xab: {  	_ =	task [dreg:s6], $0x5FFFF  }
0xac: {  	[dreg:$0x1] =	wrdreg $0xFFFFFFFF  }
0xad: {  	[dreg:$0x0] =	wrdreg $0x60  }
0xae: {  	[dreg:$0x2] =	wrdreg s24  }
0xaf: {  	[dreg:$0x3] =	wrdreg $0xB7800  }
0xb0: {  	[dreg:$0x4] =	wrdreg $0x9  }
0xb1: {  	_ =	task.clear_ibuf [dreg:s6], $0x5FFFF;
	_ =	strace $0x9000004C  }
0xb2: {  	s29 =	simm.s32 $0x9;
	_ =	strace $0x8000004E  }
0xb3: {  	_ =	swait.ge [sflag:s29], $0x1  }
0xb4: {  	[sflag:s29] =	ssyncadd.s32 $0xFFFFFFFF  }
0xb5: {  	_ =	strace $0x9000004E  }
0xb6: {  	_ =	sfence  }
0xb7: {  	s30 =	sld [smem:$0x0];
	_ =	sdelay $0x2  }
0xb8: {  	s31 =	sshll.u32 s1, $0xD;
	s1 =	sshrl.u32 s1, $0x2  }
0xb9: {  	s3 =	sand.u32 $0x4000, s31;
	s1 =	sadd.s32 s1, s30  }
0xba: {  	s0 =	sor.u32 s3, s0;
	s1 =	sshll.u32 s1, $0x11  }
0xbb: {  	s0 =	sor.u32 s1, s0  }
0xbc: {  	s0 =	sadd.s32 $0x8F2B, s0  }
0xbd: {  	[sflag:s0] =	ssyncadd.remote.s32 $0x1  }
0xbe: {  	_ =	sfence.sel $0xFFFF  }
0xbf: {  	[dreg:$0x0] =	wrdreg $0xFFFFFFFF;
	(pc) =	sbr.abs _section_cstart, $3  }
0xc0: {  	[dreg:$0x1] =	wrdreg $0xFFFFFFFF  }
0xc1: {  	_ =	task.clear_ibuf [dreg:s6], $0x2FFFF;
	_ =	strace $0x9FFFFFFF  }
0xc2: {  	(tm) =	ssettm $0x7FFFFFFF  }
0xc3: {  	_ =	shalt  }
tec
execute0_lowered:
.L_overlay_start_1:
0x0: {  	(tag) =	ssettag $0x1  }
0x1: {  	s6 =	rddreg [dreg:$0x0]  }
0x2: {  	s0 =	srdreg.scid;
	s2 =	rddreg [dreg:$0x1]  }
0x3: {  	s30 =	stileid.u32;
	s3 =	simm.s32 $0x0;
	s18 =	simm.s32 $0x3  }
0x4: {  	s19 =	simm.s32 $0x6780;
	s20 =	simm.s32 $0x1;
	s21 =	simm.s32 $0x50  }
0x5: {  	s22 =	simm.s32 $0x6580;
	s23 =	simm.s32 $0x4;
	s24 =	simm.s32 $0x0  }
0x6: {  	s7 =	sand.u32 $0x1, s0;
	[smem:$0x7FF] =	sst s3;
	s10 =	smul.u32 $0x14000, s30  }
0x7: {  	s12 =	smul.u32 $0x50000, s30;
	s4 =	sshll.u32 s7, $0x4;
	_ =	strace $0x8000004D  }
0x8: {  	s9 =	smul.u32 $0x140000, s7;
	s7 =	ssub.s32 $0x2, s7;
	s5 =	sor.u32 s30, s4  }
0x9: {  	s4 =	sadd.s32 $0x6EC00, s6;
	s31 =	sshrl.u32 s7, $0x1;
	s12 =	sshrl.u32 s12, $0x2  }
0xa: {  	s8 =	smul.u32 $0x4E2, s5;
	s5 =	sshll.u32 s5, $0xB;
	s9 =	sadd.s32 s10, s9  }
0xb: {  	s17 =	ssub.s32 s7, s31;
	s11 =	sadd.s32 s5, s6;
	s5 =	sadd.s32 $0x2000, s6  }
0xc: {  	s9 =	sshrl.u32 s9, $0x3;
	s17 =	smax.u32 s17, $0x1;
	s8 =	sadd.s32 s8, s6  }
0xd: {  	s16 =	sadd.s32 s9, s6;
	s6 =	sadd.s32 s12, s2;
	s7 =	sadd.s32 $0x54E00, s8  }
0xe: {  	s8 =	sadd.s32 $0x5EC00, s11;
	s9 =	sadd.s32 $0x2800, s6;
	s10 =	sadd.s32 $0x5000, s6  }
0xf: {  	s11 =	sadd.s32 $0x7800, s6;
	s12 =	sadd.s32 $0xA000, s6;
	s13 =	sadd.s32 $0xC800, s6  }
0x10: {  	s14 =	sadd.s32 $0xF000, s6;
	s15 =	sadd.s32 $0x11800, s6;
	s16 =	sadd.s32 $0x96C00, s16  }
.LBB2_1:
0x11: {  	[tilespmem:s3], [sflag:$0x3] =	stream.linear.gather [hbm4b:s7+s3], $0x2710, $0x38;
	[tilespmem:$0x1F780] =	vst v63  }
0x12: {  	_ =	swait.ge [sflag:s18], $0x2710  }
0x13: {  	[sflag:s18] =	ssyncset.done $0x0  }
0x14: {  	s25 =	simm.s32 $0x2780;
	[sflag:s18] =	ssyncadd.s32 $0xFFFFD8F0  }
0x15: {  	[tilespmem:s25], [sflag:$0x3] =	stream.linear.gather [hbm4b:s8+s3], $0x3E80, $0x38;
	[tilespmem:$0x1F780] =	vst v63  }
0x16: {  	_ =	swait.ge [sflag:s18], $0x3E80  }
0x17: {  	[sflag:s18] =	ssyncset.done $0x0  }
0x18: {  	[sflag:s18] =	ssyncadd.s32 $0xFFFFC180  }
0x19: {  	[tilespmem:s19], [sflag:$0x3] =	stream.linear.gather [hbm4b:s5+s3], $0x2800, $0x38;
	[tilespmem:$0x1F780] =	vst v63  }
0x1a: {  	_ =	swait.ge [sflag:s18], $0x2800  }
0x1b: {  	[sflag:s18] =	ssyncset.done $0x0  }
0x1c: {  	[sflag:s18] =	ssyncadd.s32 $0xFFFFD800  }
0x1d: {  	[spmem:s6] =	stream.linear.scatter [tilespmem:s19], [sflag:$0x3], $0x2800, $0x38;
	[tilespmem:$0x1F780] =	vst v63  }
0x1e: {  	_ =	swait.ge [sflag:s18], $0x2800  }
0x1f: {  	[sflag:s18] =	ssyncset.done $0x0  }
0x20: {  	[sflag:s18] =	ssyncadd.s32 $0xFFFFD800  }
0x21: {  	[spmem:s9] =	stream.linear.scatter [tilespmem:s19], [sflag:$0x3], $0x2800, $0x38;
	[tilespmem:$0x1F780] =	vst v63  }
0x22: {  	_ =	swait.ge [sflag:s18], $0x2800  }
0x23: {  	[sflag:s18] =	ssyncset.done $0x0  }
0x24: {  	[sflag:s18] =	ssyncadd.s32 $0xFFFFD800  }
0x25: {  	[spmem:s10] =	stream.linear.scatter [tilespmem:s19], [sflag:$0x3], $0x2800, $0x38;
	[tilespmem:$0x1F780] =	vst v63  }
0x26: {  	_ =	swait.ge [sflag:s18], $0x2800  }
0x27: {  	[sflag:s18] =	ssyncset.done $0x0  }
0x28: {  	[sflag:s18] =	ssyncadd.s32 $0xFFFFD800  }
0x29: {  	[spmem:s11] =	stream.linear.scatter [tilespmem:s19], [sflag:$0x3], $0x2800, $0x38;
	[tilespmem:$0x1F780] =	vst v63  }
0x2a: {  	_ =	swait.ge [sflag:s18], $0x2800  }
0x2b: {  	[sflag:s18] =	ssyncset.done $0x0  }
0x2c: {  	[sflag:s18] =	ssyncadd.s32 $0xFFFFD800  }
0x2d: {  	[spmem:s12] =	stream.linear.scatter [tilespmem:s19], [sflag:$0x3], $0x2800, $0x38;
	[tilespmem:$0x1F780] =	vst v63  }
0x2e: {  	_ =	swait.ge [sflag:s18], $0x2800  }
0x2f: {  	[sflag:s18] =	ssyncset.done $0x0  }
0x30: {  	[sflag:s18] =	ssyncadd.s32 $0xFFFFD800  }
0x31: {  	[spmem:s13] =	stream.linear.scatter [tilespmem:s19], [sflag:$0x3], $0x2800, $0x38;
	[tilespmem:$0x1F780] =	vst v63  }
0x32: {  	_ =	swait.ge [sflag:s18], $0x2800  }
0x33: {  	[sflag:s18] =	ssyncset.done $0x0  }
0x34: {  	[sflag:s18] =	ssyncadd.s32 $0xFFFFD800  }
0x35: {  	[spmem:s14] =	stream.linear.scatter [tilespmem:s19], [sflag:$0x3], $0x2800, $0x38;
	[tilespmem:$0x1F780] =	vst v63  }
0x36: {  	_ =	swait.ge [sflag:s18], $0x2800  }
0x37: {  	[sflag:s18] =	ssyncset.done $0x0  }
0x38: {  	[sflag:s18] =	ssyncadd.s32 $0xFFFFD800  }
0x39: {  	[spmem:s15] =	stream.linear.scatter [tilespmem:s19], [sflag:$0x3], $0x2800, $0x38;
	[tilespmem:$0x1F780] =	vst v63  }
0x3a: {  	_ =	swait.ge [sflag:s18], $0x2800  }
0x3b: {  	[sflag:s18] =	ssyncset.done $0x0  }
0x3c: {  	s26 =	sand.u32 $0x1, s3;
	[sflag:s18] =	ssyncadd.s32 $0xFFFFD800  }
0x3d: {  	p0 =	seq.s32 s26, $0x1;
	[bflag:$0x0] =	sbarrier.arrive $0xFFFF  }
0x3e: {  	[tilespmem:s19], [sflag:$0x1] =	stream.indirect.gather [hbm4b:s4+s21], $0x80, s3, s21, $0xb8;
	[tilespmem:$0x1F780] =	vst v63  }
0x3f: {  	s26 =	simm.s32 @p0 $0x50;
	s28 =	simm.s32 @p0 $0x6780;
	s29 =	simm.s32 @p0 $0x2  }
0x40: {  	[tilespmem:s28], [sflag:$0x1] =	stream.indirect.gather @p0 [hbm4b:s4+s26], $0x80, s21, s26, $0xb8;
	[tilespmem:$0x1F780] =	vst v63  }
0x41: {  	_ =	swait.ge @p0 [sflag:s29], $0x2800  }
0x42: {  	[sflag:s29] =	ssyncset.done @p0 $0x0  }
0x43: {  	s28 =	simm.s32 @p0 $0x8F80;
	[sflag:s29] =	ssyncadd.s32 @p0 $0xFFFFD800  }
0x44: {  	[spmem:s2] =	stream.indirect.scatter.add.f32 @p0 [tilespmem:s28], [sflag:$0x3], $0x80, s25, s26, $0xb8;
	[tilespmem:$0x1F780] =	vst v63  }
0x45: {  	s30 =	simm.s32 @!p0 $0x1;
	s26 =	simm.s32 @!p0 $0x50;
	s28 =	simm.s32 @!p0 $0x8F80  }
0x46: {  	[tilespmem:s28], [sflag:$0x2] =	stream.indirect.gather @!p0 [hbm4b:s4+s26], $0x80, s21, s26, $0xb8;
	[tilespmem:$0x1F780] =	vst v63  }
0x47: {  	_ =	swait.ge @!p0 [sflag:s30], $0x2800  }
0x48: {  	s31 =	simm.s32 $0x1;
	s29 =	simm.s32 @!p0 $0x4;
	[sflag:s30] =	ssyncset.done @!p0 $0x0  }
0x49: {  	s29 =	simm.s32 @p0 $0x3;
	s28 =	simm.s32 @!p0 $0x6780;
	[sflag:s30] =	ssyncadd.s32 @!p0 $0xFFFFD800  }
0x4a: {  	[spmem:s2] =	stream.indirect.scatter.add.f32 @!p0 [tilespmem:s28], [sflag:$0x4], $0x80, s25, s26, $0xb8;
	[tilespmem:$0x1F780] =	vst v63  }
0x4b: {  	s30 =	sand.u32 $0x1, s31;
	s28 =	simm.s32 $0x2;
	_ =	swait.ge [sflag:s29], $0x2800  }
0x4c: {  	s25 =	simm.s32 $0x2800;
	s26 =	simm.s32 $0xA0;
	[sflag:s29] =	ssyncset.done $0x0  }
.LBB2_2:
0x4d: {  	p0 =	seq.s32 s30, $0x1  }
0x4e: {  	[sflag:s29] =	ssyncadd.s32 $0xFFFFD800;
	s30 =	smov.u32 s28;
	s28 =	sadd.s32 $0x1, s28  }
0x4f: {  	s31 =	simm.s32 @p0 $0x50;
	s29 =	simm.s32 @p0 $0x6780;
	s0 =	simm.s32 @p0 $0x2  }
0x50: {  	[tilespmem:s29], [sflag:$0x1] =	stream.indirect.gather @p0 [hbm4b:s4+s31], $0x80, s26, s31, $0xb8;
	[tilespmem:$0x1F780] =	vst v63  }
0x51: {  	p1 =	sne.s32 s28, $0x7C;
	s29 =	simm.s32 @!p0 $0x4;
	_ =	swait.ge @p0 [sflag:s0], $0x2800  }
0x52: {  	[sflag:s0] =	ssyncset.done @p0 $0x0  }
0x53: {  	[sflag:s0] =	ssyncadd.s32 @p0 $0xFFFFD800;
	s0 =	simm.s32 @p0 $0x8F80  }
0x54: {  	[spmem:s2] =	stream.indirect.scatter.add.f32 @p0 [tilespmem:s0], [sflag:$0x3], $0x80, s25, s31, $0xb8;
	[tilespmem:$0x1F780] =	vst v63  }
0x55: {  	s1 =	simm.s32 @!p0 $0x1;
	s0 =	simm.s32 @!p0 $0x50;
	s31 =	simm.s32 @!p0 $0x8F80  }
0x56: {  	[tilespmem:s31], [sflag:$0x2] =	stream.indirect.gather @!p0 [hbm4b:s4+s0], $0x80, s26, s0, $0xb8;
	[tilespmem:$0x1F780] =	vst v63  }
0x57: {  	_ =	swait.ge @!p0 [sflag:s1], $0x2800  }
.Ltmp0:
0x58: {  	[sflag:s1] =	ssyncset.done @!p0 $0x0;
	(pc) =	sbr.rel @p1 .LBB2_2-.Ltmp0, $4  }
0x59: {  	s29 =	simm.s32 @p0 $0x3;
	[sflag:s1] =	ssyncadd.s32 @!p0 $0xFFFFD800;
	s1 =	simm.s32 @!p0 $0x6780  }
0x5a: {  	[spmem:s2] =	stream.indirect.scatter.add.f32 @!p0 [tilespmem:s1], [sflag:$0x4], $0x80, s25, s0, $0xb8;
	[tilespmem:$0x1F780] =	vst v63  }
0x5b: {  	s25 =	sadd.s32 $0x80, s25;
	_ =	swait.ge [sflag:s29], $0x2800  }
0x5c: {  	s30 =	sand.u32 $0x1, s30;
	s26 =	sadd.s32 $0x50, s26;
	[sflag:s29] =	ssyncset.done $0x0  }
0x5d: {  	p0 =	seq.s32 s30, $0x1;
	[sflag:s29] =	ssyncadd.s32 $0xFFFFD800  }
0x5e: {  	s0 =	simm.s32 @p0 $0x50;
	s1 =	simm.s32 @p0 $0x6780;
	s28 =	simm.s32 @p0 $0x2  }
0x5f: {  	[tilespmem:s1], [sflag:$0x1] =	stream.indirect.gather @p0 [hbm4b:s4+s0], $0x80, s26, s0, $0xb8;
	[tilespmem:$0x1F780] =	vst v63  }
0x60: {  	_ =	swait.ge @p0 [sflag:s28], $0x2800  }
0x61: {  	[sflag:s28] =	ssyncset.done @p0 $0x0  }
0x62: {  	s1 =	simm.s32 @p0 $0x8F80;
	[sflag:s28] =	ssyncadd.s32 @p0 $0xFFFFD800  }
0x63: {  	[spmem:s2] =	stream.indirect.scatter.add.f32 @p0 [tilespmem:s1], [sflag:$0x3], $0x80, s25, s0, $0xb8;
	[tilespmem:$0x1F780] =	vst v63  }
0x64: {  	s28 =	simm.s32 @!p0 $0x1;
	s0 =	simm.s32 @!p0 $0x50;
	s1 =	simm.s32 @!p0 $0x8F80  }
0x65: {  	[tilespmem:s1], [sflag:$0x2] =	stream.indirect.gather @!p0 [hbm4b:s4+s0], $0x80, s26, s0, $0xb8;
	[tilespmem:$0x1F780] =	vst v63  }
0x66: {  	_ =	swait.ge @!p0 [sflag:s28], $0x2800  }
0x67: {  	s1 =	simm.s32 @!p0 $0x4;
	[sflag:s28] =	ssyncset.done @!p0 $0x0  }
0x68: {  	s26 =	simm.s32 @!p0 $0x6780;
	s1 =	simm.s32 @p0 $0x3;
	[sflag:s28] =	ssyncadd.s32 @!p0 $0xFFFFD800  }
0x69: {  	[spmem:s2] =	stream.indirect.scatter.add.f32 @!p0 [tilespmem:s26], [sflag:$0x4], $0x80, s25, s0, $0xb8;
	[tilespmem:$0x1F780] =	vst v63  }
0x6a: {  	_ =	swait.ge [sflag:s1], $0x2800  }
0x6b: {  	[sflag:s1] =	ssyncset.done $0x0  }
0x6c: {  	[sflag:s1] =	ssyncadd.s32 $0xFFFFD800  }
0x6d: {  	_ =	swait.ge [sflag:s20], $0x2800  }
0x6e: {  	[sflag:s20] =	ssyncset.done $0x0  }
0x6f: {  	[sflag:s20] =	ssyncadd.s32 $0xFFFFD800  }
0x70: {  	[spmem:s2] =	stream.indirect.scatter.add.f32 [tilespmem:s19], [sflag:$0x4], $0x80, s22, s21, $0xb8;
	[tilespmem:$0x1F780] =	vst v63  }
0x71: {  	s30 =	stileid.u32;
	_ =	swait.ge [sflag:s23], $0x2800  }
0x72: {  	s31 =	sshrl.u32 s6, $0x3;
	s24 =	sadd.s32 $0x1, s24;
	[sflag:s23] =	ssyncset.done $0x0  }
0x73: {  	s0 =	sshll.u32 s30, $0x6;
	p0 =	sne.s32 s24, s17;
	[sflag:s23] =	ssyncadd.s32 $0xFFFFD800  }
.Ltmp1:
0x74: {  	s0 =	sor.u32 $0x1C03, s0;
	[bflag:$0x0] =	sbarrier.arrive $0xFFFF;
	(pc) =	sbr.rel @p0 .LBB2_1-.Ltmp1, $4  }
0x75: {  	[hbm:s16], [sflag:s0] =	dma.local [spmem:s31], $0x2800  }
0x76: {  	_ =	swait.ge [sflag:s18], $0x2800  }
0x77: {  	[sflag:s18] =	ssyncset.done $0x0  }
0x78: {  	[sflag:s18] =	ssyncadd.s32 $0xFFFFD800  }
0x79: {  	_ =	sfence.sel $0x180000  }
0x7a: {  	[bflag:$0x0] =	sbarrier.arrive $0xFFFF  }
0x7b: {  	_ =	strace $0x9000004D  }
0x7c: {  	s0 =	stileid.u32;
	[bflag:$0x2] =	sbarrier.arrive $0xFFFF  }
0x7d: {  	p0 =	sne.s32 s0, $0x0;
	s0 =	rddreg [dreg:$0x2]  }
0x7e: {  	s0 =	sadd.s32 @!p0 $0x100000, s0  }
0x7f: {  	[sflag:s0] =	ssyncadd.tile.s32 @!p0 $0x1;
	_ =	shalt  }
.Lfunc_end2:
_tile_overlayer_lowered:
.L_overlay_start_2:
0x80: {  	(tag) =	ssettag $0x2  }
0x81: {  	s0 =	rddreg [dreg:$0x0];
	s2 =	stileid.u32  }
0x82: {  	s1 =	rddreg [dreg:$0x1];
	p0 =	sne.s32 s2, $0x0  }
0x83: {  	s3 =	rddreg [dreg:$0x2];
	[bflag:$0x3] =	sbarrier.arrive $0xFFFF;
	s2 =	simm.s32 @!p0 $0x1C03  }
0x84: {  	[timem:s3], [sflag:s2] =	dma.local @!p0 [hbm:s0], s1  }
0x85: {  	s0 =	simm.s32 @!p0 $0x3  }
0x86: {  	_ =	swait.ge @!p0 [sflag:s0], s1  }
0x87: {  	s1 =	ssub.s32 @!p0 $0x0, s1;
	[sflag:s0] =	ssyncset.done @!p0 $0x0  }
0x88: {  	[sflag:s0] =	ssyncadd.s32 @!p0 s1  }
0x89: {  	[bflag:$0x3] =	sbarrier.arrive $0xFFFF  }
0x8a: {  	_ =	shalt  }

// kernel: kernel.9.cloned.1.call-start
scs
__scs_entry_jumppad:
0x0: {  	(pc) =	sbr.rel $0x88, $3  }
0x1: {  	(tag) =	ssettag $0x0;
	lr =	simm.s32 $0x1  }
0x2: {  	[smem:$0x3F9B] =	sst lr;
	_ =	strace $0xD0000000  }
0x3: {  	_ = 	snop  }
0x4: {  	_ = 	snop  }
0x5: {  	_ = 	snop  }
0x6: {  	_ = 	snop  }
0x7: {  	_ = 	snop  }
__scs_overlays_trampoline_lowered:
0x8: {  	[smem:$0x3FAA] =	sst s0  }
0x9: {  	[smem:$0x3FAB] =	sst s1  }
0xa: {  	[smem:$0x3FAC] =	sst s2  }
0xb: {  	[smem:$0x3FAD] =	sst s3  }
0xc: {  	[smem:$0x3FAE] =	sst s4  }
0xd: {  	[smem:$0x3FAF] =	sst s5  }
0xe: {  	[smem:$0x3FB0] =	sst s6  }
0xf: {  	[smem:$0x3FB1] =	sst s7  }
0x10: {  	[smem:$0x3FB2] =	sst s8  }
0x11: {  	[smem:$0x3FB3] =	sst s9;
	s0 =	simm.s32 @!p0 $0x0  }
0x12: {  	s1 =	sld [smem:$0x3F99];
	s0 =	simm.s32 @p0 $0x1  }
0x13: {  	[smem:$0x3FB4] =	sst s0;
	s0 =	simm.s32 @!p1 $0x0  }
0x14: {  	s2 =	sld [smem:$0x3F98];
	s0 =	simm.s32 @p1 $0x1  }
0x15: {  	[smem:$0x3FB5] =	sst s0;
	s0 =	simm.s32 @!p2 $0x0  }
0x16: {  	s3 =	sld [smem:$0x3FDB];
	s0 =	simm.s32 @p2 $0x1  }
0x17: {  	s4 =	simm.s32 $0x1BF5;
	[smem:$0x3FB7] =	sst s0  }
0x18: {  	s0 =	sld [smem:$0x3F9A];
	_ =	swait.ge [sflag:s4], $0x0  }
0x19: {  	s7 =	sld [smem:$0x3F9B]  }
0x1a: {  	s8 =	sadd.s32 $0xFFFFE003, lr  }
0x1b: {  	s9 =	sadd.s32 $0xFFFFFEF7, lr;
	s5 =	simm.s32 $0xFFFFFFFF;
	p2 =	slt.u32 s8, $0xFFFFF086  }
0x1c: {  	p1 =	slt.u32 s9, $0xF7A;
	s5 =	simm.s32 @!p2 $0x0  }
0x1d: {  	s5 =	simm.s32 @p1 $0x1;
	p0 =	seq.s32 s7, s2  }
0x1e: {  	s7 =	smul.u32 @!p0 $0xF7A, s2;
	p2 =	seq.s32 @!p0 s5, $0x0  }
0x1f: {  	s9 =	smul.u32 $0xF7A, s1;
	s8 =	simm.s32 @!p0 $0x1BF5;
	p2 =	por !p2, p0  }
0x20: {  	[sflag:s8] =	ssyncset.s32 @!p0 $0xFFFFF086;
	s6 =	sadd.s32 @!p0 s3, s7;
	s7 =	simm.s32 @!p0 $0x108  }
0x21: {  	s3 =	sadd.s32 s3, s9;
	s6 =	sadd.s32 @!p0 $0x88, s6;
	s7 =	simm.s32 @p2 $0x1082  }
0x22: {  	[simem:s7], [sflag:s8] =	dma.local @!p0 [hbm:s6], $0xF7A  }
0x23: {  	s9 =	sor.u32 $0xD0000000, s2;
	s6 =	simm.s32 $0x108;
	_ =	swait.ge @!p0 [sflag:s8], $0x0  }
0x24: {  	s3 =	sadd.s32 $0x88, s3;
	s6 =	simm.s32 @!p1 $0x1082;
	[sflag:s4] =	ssyncset.s32 $0xFFFFF086  }
0x25: {  	[simem:s6], [sflag:s4] =	dma.local [hbm:s3], $0xF7A  }
0x26: {  	[smem:$0x3F9B] =	sst s1;
	(tag) =	ssettag s2;
	_ =	strace s9  }
0x27: {  	s1 =	sld [smem:$0x3FAB]  }
0x28: {  	s2 =	sld [smem:$0x3FAC]  }
0x29: {  	s4 =	sld [smem:$0x3FAE]  }
0x2a: {  	p0 =	seq.s32 s5, $0x0;
	s5 =	sld [smem:$0x3FAF]  }
0x2b: {  	s6 =	sld [smem:$0x3FB0]  }
0x2c: {  	s7 =	sld [smem:$0x3FB1]  }
0x2d: {  	s3 =	simm.s32 $0x108;
	s8 =	sld [smem:$0x3FB2]  }
0x2e: {  	s3 =	simm.s32 @!p0 $0x1082;
	s9 =	sld [smem:$0x3FB3]  }
0x2f: {  	lr =	sadd.s32 s0, s3;
	s0 =	sld [smem:$0x3FAA]  }
0x30: {  	s3 =	sld [smem:$0x3FAD]  }
0x31: {  	[smem:$0x3FB6] =	sst s10  }
0x32: {  	s10 =	sld [smem:$0x3FB4];
	_ =	sdelay $0x3  }
0x33: {  	p0 =	seq.s32 s10, $0x1;
	s10 =	sld [smem:$0x3FB6];
	_ =	sdelay $0x3  }
0x34: {  	[smem:$0x3FB6] =	sst s10  }
0x35: {  	s10 =	sld [smem:$0x3FB5];
	_ =	sdelay $0x3  }
0x36: {  	p1 =	seq.s32 s10, $0x1;
	s10 =	sld [smem:$0x3FB6];
	_ =	sdelay $0x3  }
0x37: {  	[smem:$0x3FB6] =	sst s10  }
0x38: {  	s10 =	sld [smem:$0x3FB7]  }
0x39: {  	_ = 	snop;
	(pc) =	sbr.ind lr, $3  }
0x3a: {  	_ = 	snop  }
0x3b: {  	_ = 	snop  }
0x3c: {  	p2 =	seq.s32 s10, $0x1;
	s10 =	sld [smem:$0x3FB6]  }
0x3d: {  	_ =	shalt  }
0x3e: {  	_ =	shalt  }
0x3f: {  	_ =	shalt  }
0x40: {  	_ =	shalt  }
0x41: {  	_ =	shalt  }
0x42: {  	_ =	shalt  }
0x43: {  	_ =	shalt  }
0x44: {  	_ =	shalt  }
0x45: {  	_ =	shalt  }
0x46: {  	_ =	shalt  }
0x47: {  	_ =	shalt  }
0x48: {  	_ =	shalt  }
0x49: {  	_ =	shalt  }
0x4a: {  	_ =	shalt  }
0x4b: {  	_ =	shalt  }
0x4c: {  	_ =	shalt  }
0x4d: {  	_ =	shalt  }
0x4e: {  	_ =	shalt  }
0x4f: {  	_ =	shalt  }
0x50: {  	_ =	shalt  }
0x51: {  	_ =	shalt  }
0x52: {  	_ =	shalt  }
0x53: {  	_ =	shalt  }
0x54: {  	_ =	shalt  }
0x55: {  	_ =	shalt  }
0x56: {  	_ =	shalt  }
0x57: {  	_ =	shalt  }
0x58: {  	_ =	shalt  }
0x59: {  	_ =	shalt  }
0x5a: {  	_ =	shalt  }
0x5b: {  	_ =	shalt  }
0x5c: {  	_ =	shalt  }
0x5d: {  	_ =	shalt  }
0x5e: {  	_ =	shalt  }
0x5f: {  	_ =	shalt  }
0x60: {  	_ =	shalt  }
0x61: {  	_ =	shalt  }
0x62: {  	_ =	shalt  }
0x63: {  	_ =	shalt  }
0x64: {  	_ =	shalt  }
0x65: {  	_ =	shalt  }
0x66: {  	_ =	shalt  }
0x67: {  	_ =	shalt  }
0x68: {  	_ =	shalt  }
0x69: {  	_ =	shalt  }
0x6a: {  	_ =	shalt  }
0x6b: {  	_ =	shalt  }
0x6c: {  	_ =	shalt  }
0x6d: {  	_ =	shalt  }
0x6e: {  	_ =	shalt  }
0x6f: {  	_ =	shalt  }
0x70: {  	_ =	shalt  }
0x71: {  	_ =	shalt  }
0x72: {  	_ =	shalt  }
0x73: {  	_ =	shalt  }
0x74: {  	_ =	shalt  }
0x75: {  	_ =	shalt  }
0x76: {  	_ =	shalt  }
0x77: {  	_ =	shalt  }
0x78: {  	_ =	shalt  }
0x79: {  	_ =	shalt  }
0x7a: {  	_ =	shalt  }
0x7b: {  	_ =	shalt  }
0x7c: {  	_ =	shalt  }
0x7d: {  	_ =	shalt  }
0x7e: {  	_ =	shalt  }
0x7f: {  	_ =	shalt  }
0x80: {  	_ =	shalt  }
0x81: {  	_ =	shalt  }
0x82: {  	_ =	shalt  }
0x83: {  	_ =	shalt  }
0x84: {  	_ =	shalt  }
0x85: {  	_ =	shalt  }
0x86: {  	_ =	shalt  }
0x87: {  	_ =	shalt  }
.Lfunc_end0:
.L_simem_size_0:
called_computation_lowered:
.L_overlay_start_0:
0x88: {  	s2 =	sld [smem:$0x3FD9]  }
0x89: {  	s3 =	sld [smem:$0x3FFE];
	_ =	sdelay $0x1  }
0x8a: {  	s1 =	srdreg.scid  }
0x8b: {  	s0 =	sand.u32 $0x1, s1  }
0x8c: {  	s17 =	sshll.u32 s0, $0xA;
	s2 =	sadd.s32 s3, s2  }
0x8d: {  	s2 =	sadd.s32 s2, s17  }
0x8e: {  	[smem:$0x3FC2] =	sst s2  }
0x8f: {  	_ = 	snop  }
0x90: {  	s2 =	sld [smem:$0x3FD0];
	(tm) =	ssettm $0x1  }
0x91: {  	s18 =	sld [smem:$0x3FFB];
	_ =	sdelay $0x3  }
0x92: {  	_ =	strace s18  }
0x93: {  	s3 =	sld [smem:$0x3FFC];
	_ =	sdelay $0x3  }
0x94: {  	_ =	strace s3  }
0x95: {  	s3 =	sld [smem:$0x3FFD];
	_ =	sdelay $0x3  }
0x96: {  	_ =	strace s3  }
0x97: {  	_ =	strace $0x8FFFFFFF  }
0x98: {  	s19 =	sld [smem:$0x3FDB];
	_ =	sdelay $0x1  }
0x99: {  	s4 =	simm.s32 $_scs_section_size  }
0x9a: {  	s5 =	simm.s32 $_size__tile_overlayer_lowered;
	s6 =	simm.s32 $_tile_overlayer_lowered  }
0x9b: {  	s22 =	simm.s32 $0x1BFF;
	s21 =	sshll.u32 s6, $0x1;
	s3 =	sadd.s32 s4, s19  }
0x9c: {  	s7 =	simm.s32 $0x0;
	s20 =	sshll.u32 s5, $0x1;
	s5 =	sadd.s32 s21, s3  }
0x9d: {  	[timem:s7], [sflag:s22] =	dma.local [hbm:s5], s20  }
0x9e: {  	_ =	swait.ge [sflag:s22], s20  }
0x9f: {  	s4 =	ssub.s32 $0x0, s20;
	[sflag:s22] =	ssyncset.done $0x0  }
0xa0: {  	[sflag:s22] =	ssyncadd.s32 s4;
	_ =	sdelay $0x1  }
0xa1: {  	s23 =	simm.s32 $0x1B8B  }
0xa2: {  	_ =	swait.ge [sflag:s23], $0x1  }
0xa3: {  	[sflag:s23] =	ssyncset.done $0x0  }
0xa4: {  	s25 =	simm.s32 $0x1B8E;
	s24 =	sld [smem:$0x3FFE];
	[sflag:s23] =	ssyncadd.s32 $0xFFFFFFFF  }
0xa5: {  	s26 =	simm.s32 $execute0_lowered;
	[smem:$0x3FD2] =	sst s25  }
0xa6: {  	s5 =	sshll.u32 s26, $0x1;
	_ =	strace $0x80000046;
	[dreg:$0x1] =	wrdreg $0xFFFFFFFF  }
0xa7: {  	s28 =	simm.s32 $_size_execute0_lowered;
	s3 =	sadd.s32 s3, s5;
	[dreg:$0x0] =	wrdreg $0x0  }
0xa8: {  	s5 =	sshll.u32 s28, $0x1;
	[dreg:$0x2] =	wrdreg s3  }
0xa9: {  	[dreg:$0x3] =	wrdreg s5  }
0xaa: {  	[dreg:$0x4] =	wrdreg $0xC0  }
0xab: {  	_ =	task [dreg:s7], $0x5FFFF  }
0xac: {  	[dreg:$0x1] =	wrdreg $0xFFFFFFFF  }
0xad: {  	[dreg:$0x0] =	wrdreg $0x60  }
0xae: {  	[dreg:$0x2] =	wrdreg s2  }
0xaf: {  	[dreg:$0x3] =	wrdreg s24  }
0xb0: {  	[dreg:$0x4] =	wrdreg $0xA8000  }
0xb1: {  	[dreg:$0x5] =	wrdreg $0x9  }
0xb2: {  	_ =	task.clear_ibuf [dreg:s7], $0x6FFFF;
	_ =	strace $0x90000046  }
0xb3: {  	s29 =	simm.s32 $0x9;
	_ =	strace $0x80000048  }
0xb4: {  	_ =	swait.ge [sflag:s29], $0x1  }
0xb5: {  	[sflag:s29] =	ssyncadd.s32 $0xFFFFFFFF  }
0xb6: {  	_ =	strace $0x90000048  }
0xb7: {  	_ =	sfence  }
0xb8: {  	s30 =	sld [smem:$0x0];
	_ =	sdelay $0x2  }
0xb9: {  	s31 =	sshll.u32 s1, $0xD;
	s1 =	sshrl.u32 s1, $0x2  }
0xba: {  	s3 =	sand.u32 $0x4000, s31;
	s1 =	sadd.s32 s1, s30  }
0xbb: {  	s0 =	sor.u32 s3, s0;
	s1 =	sshll.u32 s1, $0x11  }
0xbc: {  	s0 =	sor.u32 s1, s0  }
0xbd: {  	s0 =	sadd.s32 $0x8F2B, s0  }
0xbe: {  	[sflag:s0] =	ssyncadd.remote.s32 $0x1  }
0xbf: {  	_ =	sfence.sel $0xFFFF  }
0xc0: {  	[dreg:$0x0] =	wrdreg $0xFFFFFFFF;
	(pc) =	sbr.abs _section_cstart, $3  }
0xc1: {  	[dreg:$0x1] =	wrdreg $0xFFFFFFFF  }
0xc2: {  	_ =	task.clear_ibuf [dreg:s7], $0x2FFFF;
	_ =	strace $0x9FFFFFFF  }
0xc3: {  	(tm) =	ssettm $0x7FFFFFFF  }
tec
execute0_lowered:
.L_overlay_start_1:
0x0: {  	(tag) =	ssettag $0x1  }
0x1: {  	s6 =	rddreg [dreg:$0x0]  }
0x2: {  	s7 =	rddreg [dreg:$0x1]  }
0x3: {  	s1 =	rddreg [dreg:$0x2];
	s2 =	srdreg.scid  }
0x4: {  	s0 =	rddreg [dreg:$0x3];
	s3 =	simm.s32 $0x0;
	s13 =	simm.s32 $0x50  }
0x5: {  	s14 =	simm.s32 $0x1;
	s8 =	sand.u32 $0x1, s2;
	s2 =	stileid.u32  }
0x6: {  	s15 =	simm.s32 $0x0;
	[smem:$0x7FF] =	sst s3;
	s9 =	smul.u32 $0x140000, s8  }
0x7: {  	s4 =	sadd.s32 $0x4800, s7;
	s5 =	sadd.s32 $0x2000, s7;
	s10 =	smul.u32 $0x14000, s2  }
0x8: {  	_ =	strace $0x80000047;
	s26 =	ssub.s32 $0x2, s8;
	s12 =	smul.u32 $0x50000, s2  }
0x9: {  	s29 =	sshll.u32 s2, $0xC;
	s8 =	sshll.u32 s8, $0x10;
	s31 =	sshll.u32 s2, $0x6  }
0xa: {  	s11 =	sshrl.u32 s26, $0x1;
	s6 =	sadd.s32 s6, s29;
	s9 =	sadd.s32 s10, s9  }
0xb: {  	s28 =	ssub.s32 s26, s11;
	s30 =	sshrl.u32 s12, $0x2;
	s6 =	sadd.s32 s8, s6  }
0xc: {  	s10 =	simm.s32 $0x8000;
	s11 =	sor.u32 $0x1C02, s31;
	s9 =	sshrl.u32 s9, $0x3  }
0xd: {  	s12 =	sadd.s32 s30, s1;
	s8 =	smax.u32 s28, $0x1;
	s7 =	sadd.s32 s9, s7  }
0xe: {  	s9 =	simm.s32 $0x2;
	s12 =	sshrl.u32 s12, $0x3;
	s7 =	sadd.s32 $0x4E00, s7  }
.LBB2_1:
0xf: {  	[tilespmem:s3], [sflag:$0x2] =	stream.linear.gather [hbm4b:s6+s3], $0x7D00, $0x38;
	[tilespmem:$0x1E800] =	vst v63  }
0x10: {  	_ =	swait.ge [sflag:s9], $0x7D00  }
0x11: {  	[sflag:s9] =	ssyncset.done $0x0  }
0x12: {  	[sflag:s9] =	ssyncadd.s32 $0xFFFF8300  }
0x13: {  	[tilespmem:s10], [sflag:$0x2] =	stream.linear.gather [hbm4b:s4+s3], $0x2800, $0x38;
	[tilespmem:$0x1E800] =	vst v63  }
0x14: {  	_ =	swait.ge [sflag:s9], $0x2800  }
0x15: {  	[sflag:s9] =	ssyncset.done $0x0  }
0x16: {  	[sflag:s9] =	ssyncadd.s32 $0xFFFFD800  }
0x17: {  	[spmem:s12], [sflag:s11] =	dma.local [hbm:s5], $0x2800  }
0x18: {  	_ =	swait.ge [sflag:s9], $0x2800  }
0x19: {  	[sflag:s9] =	ssyncset.done $0x0  }
0x1a: {  	p0 =	por $0x1, $0x1;
	[sflag:s9] =	ssyncadd.s32 $0xFFFFD800  }
0x1b: {  	s18 =	simm.s32 @!p0 $0x1;
	[bflag:$0x0] =	sbarrier.arrive $0xFFFF  }
0x1c: {  	[spmem:s1] =	stream.indirect.scatter.add.f32 [tilespmem:s10], [sflag:$0x1], $0x80, s3, s13, $0xb8;
	[tilespmem:$0x1E800] =	vst v63  }
0x1d: {  	_ =	swait.ge @!p0 [sflag:s18], $0x2800  }
0x1e: {  	s16 =	simm.s32 $0x1;
	s17 =	simm.s32 $0x0;
	[sflag:s18] =	ssyncset.done @!p0 $0x0  }
.LBB2_2:
0x1f: {  	[sflag:s18] =	ssyncadd.s32 @!p0 $0xFFFFD800  }
0x20: {  	s17 =	sadd.s32 $0x80, s17;
	s18 =	smov.u32 s16;
	s16 =	sadd.s32 $0x1, s16  }
0x21: {  	p1 =	sne.s32 s16, $0xFA  }
0x22: {  	[spmem:s1] =	stream.indirect.scatter.add.f32 [tilespmem:s10], [sflag:$0x1], $0x80, s17, s13, $0xb8;
	[tilespmem:$0x1E800] =	vst v63  }
.Ltmp0:
0x23: {  	_ = 	snop;
	(pc) =	sbr.rel @p1 .LBB2_2-.Ltmp0, $4  }
0x24: {  	p0 =	slt.u32 s18, $0x8  }
0x25: {  	s18 =	simm.s32 @!p0 $0x1  }
0x26: {  	_ =	swait.ge @!p0 [sflag:s18], $0x2800  }
0x27: {  	[sflag:s18] =	ssyncset.done @!p0 $0x0  }
0x28: {  	[sflag:s18] =	ssyncadd.s32 @!p0 $0xFFFFD800  }
0x29: {  	_ =	swait.ge [sflag:s14], $0x2800  }
0x2a: {  	[sflag:s14] =	ssyncset.done $0x0  }
0x2b: {  	[sflag:s14] =	ssyncadd.s32 $0xFFFFD800  }
0x2c: {  	_ =	swait.ge [sflag:s14], $0x2800  }
0x2d: {  	[sflag:s14] =	ssyncset.done $0x0  }
0x2e: {  	[sflag:s14] =	ssyncadd.s32 $0xFFFFD800  }
0x2f: {  	_ =	swait.ge [sflag:s14], $0x2800  }
0x30: {  	[sflag:s14] =	ssyncset.done $0x0  }
0x31: {  	[sflag:s14] =	ssyncadd.s32 $0xFFFFD800  }
0x32: {  	_ =	swait.ge [sflag:s14], $0x2800  }
0x33: {  	[sflag:s14] =	ssyncset.done $0x0  }
0x34: {  	[sflag:s14] =	ssyncadd.s32 $0xFFFFD800  }
0x35: {  	_ =	swait.ge [sflag:s14], $0x2800  }
0x36: {  	[sflag:s14] =	ssyncset.done $0x0  }
0x37: {  	[sflag:s14] =	ssyncadd.s32 $0xFFFFD800  }
0x38: {  	_ =	swait.ge [sflag:s14], $0x2800  }
0x39: {  	[sflag:s14] =	ssyncset.done $0x0  }
0x3a: {  	[sflag:s14] =	ssyncadd.s32 $0xFFFFD800  }
0x3b: {  	_ =	swait.ge [sflag:s14], $0x2800  }
0x3c: {  	[sflag:s14] =	ssyncset.done $0x0  }
0x3d: {  	[sflag:s14] =	ssyncadd.s32 $0xFFFFD800  }
0x3e: {  	_ =	swait.ge [sflag:s14], $0x2800  }
0x3f: {  	s15 =	sadd.s32 $0x1, s15;
	[sflag:s14] =	ssyncset.done $0x0  }
0x40: {  	p0 =	sne.s32 s15, s8;
	[sflag:s14] =	ssyncadd.s32 $0xFFFFD800  }
.Ltmp1:
0x41: {  	[bflag:$0x0] =	sbarrier.arrive $0xFFFF;
	(pc) =	sbr.rel @p0 .LBB2_1-.Ltmp1, $4  }
0x42: {  	[hbm:s7], [sflag:s11] =	dma.local [spmem:s12], $0x2800  }
0x43: {  	_ =	swait.ge [sflag:s9], $0x2800  }
0x44: {  	[sflag:s9] =	ssyncset.done $0x0  }
0x45: {  	[sflag:s9] =	ssyncadd.s32 $0xFFFFD800  }
0x46: {  	_ =	sfence.sel $0x180000  }
0x47: {  	[bflag:$0x0] =	sbarrier.arrive $0xFFFF  }
0x48: {  	p0 =	sne.s32 s2, $0x0;
	_ =	strace $0x90000047  }
0x49: {  	s0 =	sadd.s32 @!p0 $0x100000, s0;
	[bflag:$0x2] =	sbarrier.arrive $0xFFFF  }
0x4a: {  	[sflag:s0] =	ssyncadd.tile.s32 @!p0 $0x1;
	_ =	shalt  }
.Lfunc_end2:
_tile_overlayer_lowered:
.L_overlay_start_2:
0x4b: {  	(tag) =	ssettag $0x2  }
0x4c: {  	s0 =	rddreg [dreg:$0x0];
	s2 =	stileid.u32  }
0x4d: {  	s1 =	rddreg [dreg:$0x1];
	p0 =	sne.s32 s2, $0x0  }
0x4e: {  	s3 =	rddreg [dreg:$0x2];
	[bflag:$0x3] =	sbarrier.arrive $0xFFFF;
	s2 =	simm.s32 @!p0 $0x1C02  }
0x4f: {  	[timem:s3], [sflag:s2] =	dma.local @!p0 [hbm:s0], s1  }
0x50: {  	s0 =	simm.s32 @!p0 $0x2  }
0x51: {  	_ =	swait.ge @!p0 [sflag:s0], s1  }
0x52: {  	s1 =	ssub.s32 @!p0 $0x0, s1;
	[sflag:s0] =	ssyncset.done @!p0 $0x0  }
0x53: {  	[sflag:s0] =	ssyncadd.s32 @!p0 s1  }
0x54: {  	[bflag:$0x3] =	sbarrier.arrive $0xFFFF  }
0x55: {  	_ =	shalt  }

</sc_bundles>
